<compile_context>
chip_gen: v7x
topology: tpu7x:2x2x1
jax: 0.10.2.dev20260603
libtpu: 0.0.44.dev20260713+nightly
codegen_flags: <defaults>
</compile_context>

<pallas_src>
import functools

import jax
import jax.numpy as jnp
from jax import lax
from jax.experimental import pallas as pl
from jax.experimental.pallas import tpu as pltpu
from jax.experimental.pallas import tpu_sc as plsc

D = 128
CB = 128
NW = 32
N_SUB = 16


def _sc_aggregate(h, zeros_pad, src_t, dst_t, ch0, ch1, npad):
    chmax = max(ch0, ch1)
    rows_per_tile = npad // N_SUB
    mesh = plsc.VectorSubcoreMesh(core_axis_name="c", subcore_axis_name="s")

    @functools.partial(
        pl.kernel,
        out_type=jax.ShapeDtypeStruct((2, npad, D), jnp.float32),
        mesh=mesh,
        scratch_types=[
            pltpu.VMEM((chmax, CB), jnp.int32),
            pltpu.VMEM((chmax, CB), jnp.int32),
            pltpu.VMEM((CB, D), jnp.float32),
            pltpu.VMEM_SHARED((npad, D), jnp.float32),
            pltpu.SemaphoreType.DMA,
        ],
    )
    def agg(h_hbm, z_hbm, src_hbm, dst_hbm, out_hbm,
            src_v, dst_v, rows_v, acc, sem):
        cid = lax.axis_index("c")
        sid = lax.axis_index("s")
        wid = cid * N_SUB + sid
        r0 = sid * rows_per_tile
        pltpu.sync_copy(z_hbm.at[pl.ds(r0, rows_per_tile)],
                        acc.at[pl.ds(r0, rows_per_tile)])
        pltpu.sync_copy(src_hbm.at[wid], src_v)
        pltpu.sync_copy(dst_hbm.at[wid], dst_v)
        plsc.subcore_barrier()

        def body(j, carry):
            pltpu.async_copy(h_hbm.at[src_v.at[j]], rows_v, sem).wait()
            pltpu.sync_copy(rows_v, acc.at[dst_v.at[j]], add=True)
            return carry

        my_ch = jnp.where(cid == 0, ch0, ch1)
        lax.fori_loop(0, my_ch, body, 0)
        plsc.subcore_barrier()
        pltpu.sync_copy(acc.at[pl.ds(r0, rows_per_tile)],
                        out_hbm.at[cid, pl.ds(r0, rows_per_tile)])

    return agg(h, zeros_pad, src_t, dst_t)


def _mlp_call(partials, h, Wa, ba, Wb, bb, final_relu):
    n = h.shape[0]
    br = 1000
    grid = (n // br,)

    def body(p_ref, h_ref, wa_ref, ba_ref, wb_ref, bb_ref, o_ref):
        a = h_ref[...] + p_ref[0] + p_ref[1]
        t = jnp.dot(a, wa_ref[...], preferred_element_type=jnp.float32)
        t = jnp.maximum(t + ba_ref[...], 0.0)
        t = jnp.dot(t, wb_ref[...], preferred_element_type=jnp.float32)
        t = t + bb_ref[...]
        if final_relu:
            t = jnp.maximum(t, 0.0)
        o_ref[...] = t

    return pl.pallas_call(
        body,
        grid=grid,
        in_specs=[
            pl.BlockSpec((2, br, D), lambda i: (0, i, 0)),
            pl.BlockSpec((br, D), lambda i: (i, 0)),
            pl.BlockSpec((D, D), lambda i: (0, 0)),
            pl.BlockSpec((1, D), lambda i: (0, 0)),
            pl.BlockSpec((D, D), lambda i: (0, 0)),
            pl.BlockSpec((1, D), lambda i: (0, 0)),
        ],
        out_specs=pl.BlockSpec((br, D), lambda i: (i, 0)),
        out_shape=jax.ShapeDtypeStruct((n, D), jnp.float32),
    )(partials, h, Wa, ba.reshape(1, D), Wb, bb.reshape(1, D))


def kernel(x, edge_index, W1a, b1a, W1b, b1b, W2a, b2a, W2b, b2b):
    n = x.shape[0]
    npad = ((n + 127) // 128) * 128 + 128 if n % 128 == 0 else -(-n // 128) * 128
    src = edge_index[0].astype(jnp.int32)
    dst = edge_index[1].astype(jnp.int32)
    e = src.shape[0]
    f_fast = 0.63
    chunks = -(-e // CB)
    ch0 = max(1, min(int(round(f_fast * chunks / N_SUB)), chunks // N_SUB))
    ch1 = max(1, -(-(chunks - N_SUB * ch0) // N_SUB))
    chmax = max(ch0, ch1)
    cap0 = N_SUB * ch0 * CB
    cap1 = N_SUB * ch1 * CB
    src_f = jnp.concatenate([src, jnp.zeros((cap0 + cap1 - e,), jnp.int32)])
    dst_f = jnp.concatenate([dst, jnp.full((cap0 + cap1 - e,), n, jnp.int32)])

    def per_tile(flat, fill):
        a0 = flat[:cap0].reshape(N_SUB, ch0, CB)
        a1 = flat[cap0:].reshape(N_SUB, ch1, CB)
        a0 = jnp.pad(a0, ((0, 0), (0, chmax - ch0), (0, 0)),
                     constant_values=fill)
        a1 = jnp.pad(a1, ((0, 0), (0, chmax - ch1), (0, 0)),
                     constant_values=fill)
        return jnp.concatenate([a0, a1])

    src_p = per_tile(src_f, 0)
    dst_p = per_tile(dst_f, n)
    zeros_pad = jnp.zeros((npad, D), jnp.float32)

    p1 = _sc_aggregate(x, zeros_pad, src_p, dst_p, ch0, ch1, npad)
    h1 = _mlp_call(p1, x, W1a, b1a, W1b, b1b, final_relu=True)
    p2 = _sc_aggregate(h1, zeros_pad, src_p, dst_p, ch0, ch1, npad)
    out = _mlp_call(p2, h1, W2a, b2a, W2b, b2b, final_relu=False)
    return out

# --- scband reference (transcript-rebuilt; emitter-appended) ---
"""Pipeline reference for scband-gin-8108898255053 (READ-ONLY COPY).

The authoritative reference and input builder live on the scoring server;
editing this copy changes nothing except your own understanding.
"""

import jax, jax.numpy as jnp
import numpy as np

N_NODES = 10000
N_EDGES = 320000
D_IN = 128
D_HID = 128
EPS = 0.0


def setup_inputs(seed: int = 0) -> dict:
    key = jax.random.key(seed)
    ks = jax.random.split(key, 10)
    x = jax.random.normal(ks[0], (N_NODES, D_IN), dtype=jnp.float32)
    edge_index = jax.random.randint(ks[1], (2, N_EDGES), 0, N_NODES, dtype=jnp.int64 if jax.config.jax_enable_x64 else jnp.int32)
    s = 1.0 / np.sqrt(D_IN)
    W1a = jax.random.normal(ks[2], (D_IN, D_HID), dtype=jnp.float32) * s
    b1a = jnp.zeros((D_HID,), dtype=jnp.float32)
    W1b = jax.random.normal(ks[3], (D_HID, D_HID), dtype=jnp.float32) * s
    b1b = jnp.zeros((D_HID,), dtype=jnp.float32)
    W2a = jax.random.normal(ks[4], (D_HID, D_HID), dtype=jnp.float32) * s
    b2a = jnp.zeros((D_HID,), dtype=jnp.float32)
    W2b = jax.random.normal(ks[5], (D_HID, D_HID), dtype=jnp.float32) * s
    b2b = jnp.zeros((D_HID,), dtype=jnp.float32)
    return {"x": x, "edge_index": edge_index, "W1a": W1a, "b1a": b1a, "W1b": W1b, "b1b": b1b, "W2a": W2a, "b2a": b2a, "W2b": W2b, "b2b": b2b}


def _mlp(h, Wa, ba, Wb, bb):
    h = jnp.dot(h, Wa) + ba
    h = jax.nn.relu(h)
    h = jnp.dot(h, Wb) + bb
    return h


def _gin_agg(h, src, dst, num_nodes):
    # sum aggregation over incoming edges: dst <- sum of src features
    msgs = jnp.take(h, src, axis=0)
    agg = jax.ops.segment_sum(msgs, dst, num_segments=num_nodes)
    return (1.0 + EPS) * h + agg


def reference(x, edge_index, W1a, b1a, W1b, b1b, W2a, b2a, W2b, b2b):
    src = edge_index[0]
    dst = edge_index[1]
    n = x.shape[0]
    # GINConv 1 (aggregator_type='sum', apply_func=MLP(2, in, hid, hid))
    h = _gin_agg(x, src, dst, n)
    h = _mlp(h, W1a, b1a, W1b, b1b)
    h = jax.nn.relu(h)
    # GINConv 2
    h = _gin_agg(h, src, dst, n)
    h = _mlp(h, W2a, b2a, W2b, b2b)
    return h

if __name__ == "__main__":
    import jax
    _d = setup_inputs()
    print(jax.jit(kernel)(*tuple(_d.values())))

</pallas_src>

<mosaic_0001>
#map = affine_map<(d0, d1) -> (0, 0)>
#map1 = affine_map<(d0, d1) -> (0, 0, 0)>
module attributes {stable_mosaic.version = 14 : i64} {
  func.func @agg(%arg0: i32, %arg1: i32, %arg2: memref<10000x128xf32, #tpu.memory_space<hbm>>, %arg3: memref<10112x128xf32, #tpu.memory_space<hbm>>, %arg4: memref<32x98x128xi32, #tpu.memory_space<hbm>>, %arg5: memref<32x98x128xi32, #tpu.memory_space<hbm>>, %arg6: memref<2x10112x128xf32, #tpu.memory_space<hbm>>, %arg7: memref<98x128xi32, #tpu.memory_space<vmem>>, %arg8: memref<98x128xi32, #tpu.memory_space<vmem>>, %arg9: memref<128x128xf32, #tpu.memory_space<vmem>>, %arg10: memref<10112x128xf32, #tpu.memory_space<vmem_shared>>, %arg11: memref<!tpu.dma_semaphore, #tpu.memory_space<semaphore_mem>>) attributes {dimension_semantics = [#tpu.dimension_semantics<core_parallel>, #tpu.dimension_semantics<subcore_parallel>], iteration_bounds = array<i64: 2, 16>, scalar_prefetch = 0 : i64, scratch_operands = 5 : i64, tpu.core_type = #tpu.core_type<sc_vector_subcore>, window_params = [{transform_indices = #map}, {transform_indices = #map}, {transform_indices = #map1}, {transform_indices = #map1}, {transform_indices = #map1}]} {
    %mul3A = arith.constant 16 : i32
    %mul3A_0 = arith.muli %arg0, %mul3A : i32
    %add3A = arith.addi %mul3A_0, %arg1 : i32
    %mul3A_1 = arith.constant 632 : i32
    %mul3A_2 = arith.muli %arg1, %mul3A_1 : i32
    "tpu.region"() ({
      %run_scoped3A = tpu.sem_alloc : memref<!tpu.dma_semaphore, #tpu.memory_space<semaphore_mem>>
      %dma_start3A = arith.constant 0 : i32
      %dma_start3A_15 = tpu.memref_slice %arg10[%mul3A_2, %dma_start3A] : memref<10112x128xf32, #tpu.memory_space<vmem_shared>> -> memref<632x128xf32, #tpu.memory_space<vmem_shared>>
      %dma_start3A_16 = arith.constant 0 : i32
      %dma_start3A_17 = tpu.memref_slice %arg3[%mul3A_2, %dma_start3A_16] : memref<10112x128xf32, #tpu.memory_space<hbm>> -> memref<632x128xf32, #tpu.memory_space<hbm>>
      tpu.enqueue_dma source(%dma_start3A_17 : memref<632x128xf32, #tpu.memory_space<hbm>>) target(%dma_start3A_15 : memref<632x128xf32, #tpu.memory_space<vmem_shared>>) target_semaphore(%run_scoped3A : memref<!tpu.dma_semaphore, #tpu.memory_space<semaphore_mem>>)
      %dma_wait3A = arith.constant 0 : i32
      %dma_wait3A_18 = tpu.memref_slice %arg10[%mul3A_2, %dma_wait3A] : memref<10112x128xf32, #tpu.memory_space<vmem_shared>> -> memref<632x128xf32, #tpu.memory_space<vmem_shared>>
      %dma_wait3A_19 = arith.constant 0 : i32
      %dma_wait3A_20 = tpu.memref_slice %arg3[%mul3A_2, %dma_wait3A_19] : memref<10112x128xf32, #tpu.memory_space<hbm>> -> memref<632x128xf32, #tpu.memory_space<hbm>>
      tpu.wait_dma2 semaphore(%run_scoped3A : memref<!tpu.dma_semaphore, #tpu.memory_space<semaphore_mem>>) src(%dma_wait3A_20 : memref<632x128xf32, #tpu.memory_space<hbm>>) dst(%dma_wait3A_18 : memref<632x128xf32, #tpu.memory_space<vmem_shared>>)
      tpu.yield
    }) : () -> ()
    "tpu.region"() ({
      %run_scoped3A = tpu.sem_alloc : memref<!tpu.dma_semaphore, #tpu.memory_space<semaphore_mem>>
      %dma_start3A = arith.constant 0 : i32
      %dma_start3A_15 = arith.constant 0 : i32
      %dma_start3A_16 = tpu.memref_slice %arg4[%add3A, %dma_start3A, %dma_start3A_15] : memref<32x98x128xi32, #tpu.memory_space<hbm>> -> memref<1x98x128xi32, #tpu.memory_space<hbm>>
      %dma_start3A_17 = tpu.memref_squeeze %dma_start3A_16 : memref<1x98x128xi32, #tpu.memory_space<hbm>> -> memref<98x128xi32, #tpu.memory_space<hbm>>
      %dma_start3A_18 = arith.constant 0 : i32
      %dma_start3A_19 = arith.constant 0 : i32
      %dma_start3A_20 = tpu.memref_slice %arg4[%add3A, %dma_start3A_18, %dma_start3A_19] : memref<32x98x128xi32, #tpu.memory_space<hbm>> -> memref<1x98x128xi32, #tpu.memory_space<hbm>>
      %dma_start3A_21 = tpu.memref_squeeze %dma_start3A_20 : memref<1x98x128xi32, #tpu.memory_space<hbm>> -> memref<98x128xi32, #tpu.memory_space<hbm>>
      tpu.enqueue_dma source(%dma_start3A_21 : memref<98x128xi32, #tpu.memory_space<hbm>>) target(%arg7 : memref<98x128xi32, #tpu.memory_space<vmem>>) target_semaphore(%run_scoped3A : memref<!tpu.dma_semaphore, #tpu.memory_space<semaphore_mem>>)
      %dma_wait3A = arith.constant 0 : i32
      %dma_wait3A_22 = arith.constant 0 : i32
      %dma_wait3A_23 = tpu.memref_slice %arg4[%add3A, %dma_wait3A, %dma_wait3A_22] : memref<32x98x128xi32, #tpu.memory_space<hbm>> -> memref<1x98x128xi32, #tpu.memory_space<hbm>>
      %dma_wait3A_24 = tpu.memref_squeeze %dma_wait3A_23 : memref<1x98x128xi32, #tpu.memory_space<hbm>> -> memref<98x128xi32, #tpu.memory_space<hbm>>
      %dma_wait3A_25 = arith.constant 0 : i32
      %dma_wait3A_26 = arith.constant 0 : i32
      %dma_wait3A_27 = tpu.memref_slice %arg4[%add3A, %dma_wait3A_25, %dma_wait3A_26] : memref<32x98x128xi32, #tpu.memory_space<hbm>> -> memref<1x98x128xi32, #tpu.memory_space<hbm>>
      %dma_wait3A_28 = tpu.memref_squeeze %dma_wait3A_27 : memref<1x98x128xi32, #tpu.memory_space<hbm>> -> memref<98x128xi32, #tpu.memory_space<hbm>>
      tpu.wait_dma2 semaphore(%run_scoped3A : memref<!tpu.dma_semaphore, #tpu.memory_space<semaphore_mem>>) src(%dma_wait3A_28 : memref<98x128xi32, #tpu.memory_space<hbm>>) dst(%arg7 : memref<98x128xi32, #tpu.memory_space<vmem>>)
      tpu.yield
    }) : () -> ()
    "tpu.region"() ({
      %run_scoped3A = tpu.sem_alloc : memref<!tpu.dma_semaphore, #tpu.memory_space<semaphore_mem>>
      %dma_start3A = arith.constant 0 : i32
      %dma_start3A_15 = arith.constant 0 : i32
      %dma_start3A_16 = tpu.memref_slice %arg5[%add3A, %dma_start3A, %dma_start3A_15] : memref<32x98x128xi32, #tpu.memory_space<hbm>> -> memref<1x98x128xi32, #tpu.memory_space<hbm>>
      %dma_start3A_17 = tpu.memref_squeeze %dma_start3A_16 : memref<1x98x128xi32, #tpu.memory_space<hbm>> -> memref<98x128xi32, #tpu.memory_space<hbm>>
      %dma_start3A_18 = arith.constant 0 : i32
      %dma_start3A_19 = arith.constant 0 : i32
      %dma_start3A_20 = tpu.memref_slice %arg5[%add3A, %dma_start3A_18, %dma_start3A_19] : memref<32x98x128xi32, #tpu.memory_space<hbm>> -> memref<1x98x128xi32, #tpu.memory_space<hbm>>
      %dma_start3A_21 = tpu.memref_squeeze %dma_start3A_20 : memref<1x98x128xi32, #tpu.memory_space<hbm>> -> memref<98x128xi32, #tpu.memory_space<hbm>>
      tpu.enqueue_dma source(%dma_start3A_21 : memref<98x128xi32, #tpu.memory_space<hbm>>) target(%arg8 : memref<98x128xi32, #tpu.memory_space<vmem>>) target_semaphore(%run_scoped3A : memref<!tpu.dma_semaphore, #tpu.memory_space<semaphore_mem>>)
      %dma_wait3A = arith.constant 0 : i32
      %dma_wait3A_22 = arith.constant 0 : i32
      %dma_wait3A_23 = tpu.memref_slice %arg5[%add3A, %dma_wait3A, %dma_wait3A_22] : memref<32x98x128xi32, #tpu.memory_space<hbm>> -> memref<1x98x128xi32, #tpu.memory_space<hbm>>
      %dma_wait3A_24 = tpu.memref_squeeze %dma_wait3A_23 : memref<1x98x128xi32, #tpu.memory_space<hbm>> -> memref<98x128xi32, #tpu.memory_space<hbm>>
      %dma_wait3A_25 = arith.constant 0 : i32
      %dma_wait3A_26 = arith.constant 0 : i32
      %dma_wait3A_27 = tpu.memref_slice %arg5[%add3A, %dma_wait3A_25, %dma_wait3A_26] : memref<32x98x128xi32, #tpu.memory_space<hbm>> -> memref<1x98x128xi32, #tpu.memory_space<hbm>>
      %dma_wait3A_28 = tpu.memref_squeeze %dma_wait3A_27 : memref<1x98x128xi32, #tpu.memory_space<hbm>> -> memref<98x128xi32, #tpu.memory_space<hbm>>
      tpu.wait_dma2 semaphore(%run_scoped3A : memref<!tpu.dma_semaphore, #tpu.memory_space<semaphore_mem>>) src(%dma_wait3A_28 : memref<98x128xi32, #tpu.memory_space<hbm>>) dst(%arg8 : memref<98x128xi32, #tpu.memory_space<vmem>>)
      tpu.yield
    }) : () -> ()
    %barrier3A = arith.constant 0 : index
    tpu.barrier barrier_id(%barrier3A)
    %eq3A = arith.constant 0 : i32
    %eq3A_3 = arith.cmpi eq, %arg0, %eq3A : i32
    %jit3A = arith.constant 98 : i32
    %jit3A_4 = arith.constant 59 : i32
    %select_n3A = arith.select %eq3A_3, %jit3A, %jit3A_4 : i32
    %while3A = arith.constant 0 : i32
    %while3A_5 = arith.constant 0 : i32
    %while3A_6 = arith.subi %select_n3A, %while3A_5 : i32
    %while3A_7 = arith.addi %while3A_5, %while3A_6 : i32
    %while3A_8 = arith.constant 1 : i32
    %while3A_9 = arith.divsi %while3A_6, %while3A_8 : i32
    %while3A_10 = arith.muli %while3A_9, %while3A_8 : i32
    %while3A_11 = arith.addi %while3A_5, %while3A_10 : i32
    %while3A_12 = arith.constant 1 : i32
    scf.for %while3A_15 = %while3A_5 to %while3A_11 step %while3A_12  : i32 {
      %dma_start3A = arith.constant 0 : i32
      %dma_start3A_16 = tpu.memref_slice %arg7[%while3A_15, %dma_start3A] : memref<98x128xi32, #tpu.memory_space<vmem>> -> memref<1x128xi32, #tpu.memory_space<vmem>>
      %dma_start3A_17 = tpu.memref_squeeze %dma_start3A_16 : memref<1x128xi32, #tpu.memory_space<vmem>> -> memref<128xi32, #tpu.memory_space<vmem>>
      %dma_start3A_18 = arith.constant 0 : i32
      %dma_start3A_19 = arith.constant 0 : i32
      %dma_start3A_20 = tpu.memref_slice %arg2[%dma_start3A_18, %dma_start3A_19] : memref<10000x128xf32, #tpu.memory_space<hbm>> -> memref<10000x128xf32, #tpu.memory_space<hbm>>
      tpu.enqueue_indirect_dma source(%dma_start3A_20 : memref<10000x128xf32, #tpu.memory_space<hbm>>) target(%arg9 : memref<128x128xf32, #tpu.memory_space<vmem>>) offsets(%dma_start3A_17 : memref<128xi32, #tpu.memory_space<vmem>>) semaphore(%arg11 : memref<!tpu.dma_semaphore, #tpu.memory_space<semaphore_mem>>)
      %dma_wait3A = arith.constant 0 : i32
      %dma_wait3A_21 = tpu.memref_slice %arg7[%while3A_15, %dma_wait3A] : memref<98x128xi32, #tpu.memory_space<vmem>> -> memref<1x128xi32, #tpu.memory_space<vmem>>
      %dma_wait3A_22 = tpu.memref_squeeze %dma_wait3A_21 : memref<1x128xi32, #tpu.memory_space<vmem>> -> memref<128xi32, #tpu.memory_space<vmem>>
      %dma_wait3A_23 = arith.constant 0 : i32
      %dma_wait3A_24 = arith.constant 0 : i32
      %dma_wait3A_25 = tpu.memref_slice %arg2[%dma_wait3A_23, %dma_wait3A_24] : memref<10000x128xf32, #tpu.memory_space<hbm>> -> memref<10000x128xf32, #tpu.memory_space<hbm>>
      tpu.wait_indirect_dma semaphore(%arg11 : memref<!tpu.dma_semaphore, #tpu.memory_space<semaphore_mem>>) src(%dma_wait3A_25 : memref<10000x128xf32, #tpu.memory_space<hbm>>) dst(%arg9 : memref<128x128xf32, #tpu.memory_space<vmem>>)
      "tpu.region"() ({
        %run_scoped3A = tpu.sem_alloc : memref<!tpu.dma_semaphore, #tpu.memory_space<semaphore_mem>>
        %dma_start3A_26 = arith.constant 0 : i32
        %dma_start3A_27 = tpu.memref_slice %arg8[%while3A_15, %dma_start3A_26] : memref<98x128xi32, #tpu.memory_space<vmem>> -> memref<1x128xi32, #tpu.memory_space<vmem>>
        %dma_start3A_28 = tpu.memref_squeeze %dma_start3A_27 : memref<1x128xi32, #tpu.memory_space<vmem>> -> memref<128xi32, #tpu.memory_space<vmem>>
        %dma_start3A_29 = arith.constant 0 : i32
        %dma_start3A_30 = arith.constant 0 : i32
        %dma_start3A_31 = tpu.memref_slice %arg10[%dma_start3A_29, %dma_start3A_30] : memref<10112x128xf32, #tpu.memory_space<vmem_shared>> -> memref<10112x128xf32, #tpu.memory_space<vmem_shared>>
        tpu.enqueue_indirect_dma source(%arg9 : memref<128x128xf32, #tpu.memory_space<vmem>>) target(%dma_start3A_31 : memref<10112x128xf32, #tpu.memory_space<vmem_shared>>) offsets(%dma_start3A_28 : memref<128xi32, #tpu.memory_space<vmem>>) semaphore(%run_scoped3A : memref<!tpu.dma_semaphore, #tpu.memory_space<semaphore_mem>>) {add = true}
        %dma_wait3A_32 = arith.constant 0 : i32
        %dma_wait3A_33 = tpu.memref_slice %arg8[%while3A_15, %dma_wait3A_32] : memref<98x128xi32, #tpu.memory_space<vmem>> -> memref<1x128xi32, #tpu.memory_space<vmem>>
        %dma_wait3A_34 = tpu.memref_squeeze %dma_wait3A_33 : memref<1x128xi32, #tpu.memory_space<vmem>> -> memref<128xi32, #tpu.memory_space<vmem>>
        %dma_wait3A_35 = arith.constant 0 : i32
        %dma_wait3A_36 = arith.constant 0 : i32
        %dma_wait3A_37 = tpu.memref_slice %arg10[%dma_wait3A_35, %dma_wait3A_36] : memref<10112x128xf32, #tpu.memory_space<vmem_shared>> -> memref<10112x128xf32, #tpu.memory_space<vmem_shared>>
        tpu.wait_indirect_dma semaphore(%run_scoped3A : memref<!tpu.dma_semaphore, #tpu.memory_space<semaphore_mem>>) src(%arg9 : memref<128x128xf32, #tpu.memory_space<vmem>>) dst(%dma_wait3A_37 : memref<10112x128xf32, #tpu.memory_space<vmem_shared>>)
        tpu.yield
      }) : () -> ()
    }
    %while3A_13 = arith.constant 1 : i32
    scf.for %while3A_15 = %while3A_11 to %while3A_7 step %while3A_13  : i32 {
      %dma_start3A = arith.constant 0 : i32
      %dma_start3A_16 = tpu.memref_slice %arg7[%while3A_15, %dma_start3A] : memref<98x128xi32, #tpu.memory_space<vmem>> -> memref<1x128xi32, #tpu.memory_space<vmem>>
      %dma_start3A_17 = tpu.memref_squeeze %dma_start3A_16 : memref<1x128xi32, #tpu.memory_space<vmem>> -> memref<128xi32, #tpu.memory_space<vmem>>
      %dma_start3A_18 = arith.constant 0 : i32
      %dma_start3A_19 = arith.constant 0 : i32
      %dma_start3A_20 = tpu.memref_slice %arg2[%dma_start3A_18, %dma_start3A_19] : memref<10000x128xf32, #tpu.memory_space<hbm>> -> memref<10000x128xf32, #tpu.memory_space<hbm>>
      tpu.enqueue_indirect_dma source(%dma_start3A_20 : memref<10000x128xf32, #tpu.memory_space<hbm>>) target(%arg9 : memref<128x128xf32, #tpu.memory_space<vmem>>) offsets(%dma_start3A_17 : memref<128xi32, #tpu.memory_space<vmem>>) semaphore(%arg11 : memref<!tpu.dma_semaphore, #tpu.memory_space<semaphore_mem>>)
      %dma_wait3A = arith.constant 0 : i32
      %dma_wait3A_21 = tpu.memref_slice %arg7[%while3A_15, %dma_wait3A] : memref<98x128xi32, #tpu.memory_space<vmem>> -> memref<1x128xi32, #tpu.memory_space<vmem>>
      %dma_wait3A_22 = tpu.memref_squeeze %dma_wait3A_21 : memref<1x128xi32, #tpu.memory_space<vmem>> -> memref<128xi32, #tpu.memory_space<vmem>>
      %dma_wait3A_23 = arith.constant 0 : i32
      %dma_wait3A_24 = arith.constant 0 : i32
      %dma_wait3A_25 = tpu.memref_slice %arg2[%dma_wait3A_23, %dma_wait3A_24] : memref<10000x128xf32, #tpu.memory_space<hbm>> -> memref<10000x128xf32, #tpu.memory_space<hbm>>
      tpu.wait_indirect_dma semaphore(%arg11 : memref<!tpu.dma_semaphore, #tpu.memory_space<semaphore_mem>>) src(%dma_wait3A_25 : memref<10000x128xf32, #tpu.memory_space<hbm>>) dst(%arg9 : memref<128x128xf32, #tpu.memory_space<vmem>>)
      "tpu.region"() ({
        %run_scoped3A = tpu.sem_alloc : memref<!tpu.dma_semaphore, #tpu.memory_space<semaphore_mem>>
        %dma_start3A_26 = arith.constant 0 : i32
        %dma_start3A_27 = tpu.memref_slice %arg8[%while3A_15, %dma_start3A_26] : memref<98x128xi32, #tpu.memory_space<vmem>> -> memref<1x128xi32, #tpu.memory_space<vmem>>
        %dma_start3A_28 = tpu.memref_squeeze %dma_start3A_27 : memref<1x128xi32, #tpu.memory_space<vmem>> -> memref<128xi32, #tpu.memory_space<vmem>>
        %dma_start3A_29 = arith.constant 0 : i32
        %dma_start3A_30 = arith.constant 0 : i32
        %dma_start3A_31 = tpu.memref_slice %arg10[%dma_start3A_29, %dma_start3A_30] : memref<10112x128xf32, #tpu.memory_space<vmem_shared>> -> memref<10112x128xf32, #tpu.memory_space<vmem_shared>>
        tpu.enqueue_indirect_dma source(%arg9 : memref<128x128xf32, #tpu.memory_space<vmem>>) target(%dma_start3A_31 : memref<10112x128xf32, #tpu.memory_space<vmem_shared>>) offsets(%dma_start3A_28 : memref<128xi32, #tpu.memory_space<vmem>>) semaphore(%run_scoped3A : memref<!tpu.dma_semaphore, #tpu.memory_space<semaphore_mem>>) {add = true}
        %dma_wait3A_32 = arith.constant 0 : i32
        %dma_wait3A_33 = tpu.memref_slice %arg8[%while3A_15, %dma_wait3A_32] : memref<98x128xi32, #tpu.memory_space<vmem>> -> memref<1x128xi32, #tpu.memory_space<vmem>>
        %dma_wait3A_34 = tpu.memref_squeeze %dma_wait3A_33 : memref<1x128xi32, #tpu.memory_space<vmem>> -> memref<128xi32, #tpu.memory_space<vmem>>
        %dma_wait3A_35 = arith.constant 0 : i32
        %dma_wait3A_36 = arith.constant 0 : i32
        %dma_wait3A_37 = tpu.memref_slice %arg10[%dma_wait3A_35, %dma_wait3A_36] : memref<10112x128xf32, #tpu.memory_space<vmem_shared>> -> memref<10112x128xf32, #tpu.memory_space<vmem_shared>>
        tpu.wait_indirect_dma semaphore(%run_scoped3A : memref<!tpu.dma_semaphore, #tpu.memory_space<semaphore_mem>>) src(%arg9 : memref<128x128xf32, #tpu.memory_space<vmem>>) dst(%dma_wait3A_37 : memref<10112x128xf32, #tpu.memory_space<vmem_shared>>)
        tpu.yield
      }) : () -> ()
    }
    %barrier3A_14 = arith.constant 0 : index
    tpu.barrier barrier_id(%barrier3A_14)
    "tpu.region"() ({
      %run_scoped3A = tpu.sem_alloc : memref<!tpu.dma_semaphore, #tpu.memory_space<semaphore_mem>>
      %dma_start3A = arith.constant 0 : i32
      %dma_start3A_15 = tpu.memref_slice %arg6[%arg0, %mul3A_2, %dma_start3A] : memref<2x10112x128xf32, #tpu.memory_space<hbm>> -> memref<1x632x128xf32, #tpu.memory_space<hbm>>
      %dma_start3A_16 = tpu.memref_squeeze %dma_start3A_15 : memref<1x632x128xf32, #tpu.memory_space<hbm>> -> memref<632x128xf32, #tpu.memory_space<hbm>>
      %dma_start3A_17 = arith.constant 0 : i32
      %dma_start3A_18 = tpu.memref_slice %arg10[%mul3A_2, %dma_start3A_17] : memref<10112x128xf32, #tpu.memory_space<vmem_shared>> -> memref<632x128xf32, #tpu.memory_space<vmem_shared>>
      tpu.enqueue_dma source(%dma_start3A_18 : memref<632x128xf32, #tpu.memory_space<vmem_shared>>) target(%dma_start3A_16 : memref<632x128xf32, #tpu.memory_space<hbm>>) target_semaphore(%run_scoped3A : memref<!tpu.dma_semaphore, #tpu.memory_space<semaphore_mem>>)
      %dma_wait3A = arith.constant 0 : i32
      %dma_wait3A_19 = tpu.memref_slice %arg6[%arg0, %mul3A_2, %dma_wait3A] : memref<2x10112x128xf32, #tpu.memory_space<hbm>> -> memref<1x632x128xf32, #tpu.memory_space<hbm>>
      %dma_wait3A_20 = tpu.memref_squeeze %dma_wait3A_19 : memref<1x632x128xf32, #tpu.memory_space<hbm>> -> memref<632x128xf32, #tpu.memory_space<hbm>>
      %dma_wait3A_21 = arith.constant 0 : i32
      %dma_wait3A_22 = tpu.memref_slice %arg10[%mul3A_2, %dma_wait3A_21] : memref<10112x128xf32, #tpu.memory_space<vmem_shared>> -> memref<632x128xf32, #tpu.memory_space<vmem_shared>>
      tpu.wait_dma2 semaphore(%run_scoped3A : memref<!tpu.dma_semaphore, #tpu.memory_space<semaphore_mem>>) src(%dma_wait3A_22 : memref<632x128xf32, #tpu.memory_space<vmem_shared>>) dst(%dma_wait3A_20 : memref<632x128xf32, #tpu.memory_space<hbm>>)
      tpu.yield
    }) : () -> ()
    return
  }
}

#map = affine_map<(d0, d1) -> (0, 0)>
#map1 = affine_map<(d0, d1) -> (0, 0, 0)>
module attributes {stable_mosaic.version = 14 : i64} {
  func.func @agg(%arg0: i32, %arg1: i32, %arg2: memref<10000x128xf32, #tpu.memory_space<hbm>>, %arg3: memref<10112x128xf32, #tpu.memory_space<hbm>>, %arg4: memref<32x98x128xi32, #tpu.memory_space<hbm>>, %arg5: memref<32x98x128xi32, #tpu.memory_space<hbm>>, %arg6: memref<2x10112x128xf32, #tpu.memory_space<hbm>>, %arg7: memref<98x128xi32, #tpu.memory_space<vmem>>, %arg8: memref<98x128xi32, #tpu.memory_space<vmem>>, %arg9: memref<128x128xf32, #tpu.memory_space<vmem>>, %arg10: memref<10112x128xf32, #tpu.memory_space<vmem_shared>>, %arg11: memref<!tpu.dma_semaphore, #tpu.memory_space<semaphore_mem>>) attributes {dimension_semantics = [#tpu.dimension_semantics<core_parallel>, #tpu.dimension_semantics<subcore_parallel>], iteration_bounds = array<i64: 2, 16>, scalar_prefetch = 0 : i64, scratch_operands = 5 : i64, tpu.core_type = #tpu.core_type<sc_vector_subcore>, window_params = [{transform_indices = #map}, {transform_indices = #map}, {transform_indices = #map1}, {transform_indices = #map1}, {transform_indices = #map1}]} {
    %mul3A = arith.constant 16 : i32
    %mul3A_0 = arith.muli %arg0, %mul3A : i32
    %add3A = arith.addi %mul3A_0, %arg1 : i32
    %mul3A_1 = arith.constant 632 : i32
    %mul3A_2 = arith.muli %arg1, %mul3A_1 : i32
    "tpu.region"() ({
      %run_scoped3A = tpu.sem_alloc : memref<!tpu.dma_semaphore, #tpu.memory_space<semaphore_mem>>
      %dma_start3A = arith.constant 0 : i32
      %dma_start3A_15 = tpu.memref_slice %arg10[%mul3A_2, %dma_start3A] : memref<10112x128xf32, #tpu.memory_space<vmem_shared>> -> memref<632x128xf32, #tpu.memory_space<vmem_shared>>
      %dma_start3A_16 = arith.constant 0 : i32
      %dma_start3A_17 = tpu.memref_slice %arg3[%mul3A_2, %dma_start3A_16] : memref<10112x128xf32, #tpu.memory_space<hbm>> -> memref<632x128xf32, #tpu.memory_space<hbm>>
      tpu.enqueue_dma source(%dma_start3A_17 : memref<632x128xf32, #tpu.memory_space<hbm>>) target(%dma_start3A_15 : memref<632x128xf32, #tpu.memory_space<vmem_shared>>) target_semaphore(%run_scoped3A : memref<!tpu.dma_semaphore, #tpu.memory_space<semaphore_mem>>)
      %dma_wait3A = arith.constant 0 : i32
      %dma_wait3A_18 = tpu.memref_slice %arg10[%mul3A_2, %dma_wait3A] : memref<10112x128xf32, #tpu.memory_space<vmem_shared>> -> memref<632x128xf32, #tpu.memory_space<vmem_shared>>
      %dma_wait3A_19 = arith.constant 0 : i32
      %dma_wait3A_20 = tpu.memref_slice %arg3[%mul3A_2, %dma_wait3A_19] : memref<10112x128xf32, #tpu.memory_space<hbm>> -> memref<632x128xf32, #tpu.memory_space<hbm>>
      tpu.wait_dma2 semaphore(%run_scoped3A : memref<!tpu.dma_semaphore, #tpu.memory_space<semaphore_mem>>) src(%dma_wait3A_20 : memref<632x128xf32, #tpu.memory_space<hbm>>) dst(%dma_wait3A_18 : memref<632x128xf32, #tpu.memory_space<vmem_shared>>)
      tpu.yield
    }) : () -> ()
    "tpu.region"() ({
      %run_scoped3A = tpu.sem_alloc : memref<!tpu.dma_semaphore, #tpu.memory_space<semaphore_mem>>
      %dma_start3A = arith.constant 0 : i32
      %dma_start3A_15 = arith.constant 0 : i32
      %dma_start3A_16 = tpu.memref_slice %arg4[%add3A, %dma_start3A, %dma_start3A_15] : memref<32x98x128xi32, #tpu.memory_space<hbm>> -> memref<1x98x128xi32, #tpu.memory_space<hbm>>
      %dma_start3A_17 = tpu.memref_squeeze %dma_start3A_16 : memref<1x98x128xi32, #tpu.memory_space<hbm>> -> memref<98x128xi32, #tpu.memory_space<hbm>>
      %dma_start3A_18 = arith.constant 0 : i32
      %dma_start3A_19 = arith.constant 0 : i32
      %dma_start3A_20 = tpu.memref_slice %arg4[%add3A, %dma_start3A_18, %dma_start3A_19] : memref<32x98x128xi32, #tpu.memory_space<hbm>> -> memref<1x98x128xi32, #tpu.memory_space<hbm>>
      %dma_start3A_21 = tpu.memref_squeeze %dma_start3A_20 : memref<1x98x128xi32, #tpu.memory_space<hbm>> -> memref<98x128xi32, #tpu.memory_space<hbm>>
      tpu.enqueue_dma source(%dma_start3A_21 : memref<98x128xi32, #tpu.memory_space<hbm>>) target(%arg7 : memref<98x128xi32, #tpu.memory_space<vmem>>) target_semaphore(%run_scoped3A : memref<!tpu.dma_semaphore, #tpu.memory_space<semaphore_mem>>)
      %dma_wait3A = arith.constant 0 : i32
      %dma_wait3A_22 = arith.constant 0 : i32
      %dma_wait3A_23 = tpu.memref_slice %arg4[%add3A, %dma_wait3A, %dma_wait3A_22] : memref<32x98x128xi32, #tpu.memory_space<hbm>> -> memref<1x98x128xi32, #tpu.memory_space<hbm>>
      %dma_wait3A_24 = tpu.memref_squeeze %dma_wait3A_23 : memref<1x98x128xi32, #tpu.memory_space<hbm>> -> memref<98x128xi32, #tpu.memory_space<hbm>>
      %dma_wait3A_25 = arith.constant 0 : i32
      %dma_wait3A_26 = arith.constant 0 : i32
      %dma_wait3A_27 = tpu.memref_slice %arg4[%add3A, %dma_wait3A_25, %dma_wait3A_26] : memref<32x98x128xi32, #tpu.memory_space<hbm>> -> memref<1x98x128xi32, #tpu.memory_space<hbm>>
      %dma_wait3A_28 = tpu.memref_squeeze %dma_wait3A_27 : memref<1x98x128xi32, #tpu.memory_space<hbm>> -> memref<98x128xi32, #tpu.memory_space<hbm>>
      tpu.wait_dma2 semaphore(%run_scoped3A : memref<!tpu.dma_semaphore, #tpu.memory_space<semaphore_mem>>) src(%dma_wait3A_28 : memref<98x128xi32, #tpu.memory_space<hbm>>) dst(%arg7 : memref<98x128xi32, #tpu.memory_space<vmem>>)
      tpu.yield
    }) : () -> ()
    "tpu.region"() ({
      %run_scoped3A = tpu.sem_alloc : memref<!tpu.dma_semaphore, #tpu.memory_space<semaphore_mem>>
      %dma_start3A = arith.constant 0 : i32
      %dma_start3A_15 = arith.constant 0 : i32
      %dma_start3A_16 = tpu.memref_slice %arg5[%add3A, %dma_start3A, %dma_start3A_15] : memref<32x98x128xi32, #tpu.memory_space<hbm>> -> memref<1x98x128xi32, #tpu.memory_space<hbm>>
      %dma_start3A_17 = tpu.memref_squeeze %dma_start3A_16 : memref<1x98x128xi32, #tpu.memory_space<hbm>> -> memref<98x128xi32, #tpu.memory_space<hbm>>
      %dma_start3A_18 = arith.constant 0 : i32
      %dma_start3A_19 = arith.constant 0 : i32
      %dma_start3A_20 = tpu.memref_slice %arg5[%add3A, %dma_start3A_18, %dma_start3A_19] : memref<32x98x128xi32, #tpu.memory_space<hbm>> -> memref<1x98x128xi32, #tpu.memory_space<hbm>>
      %dma_start3A_21 = tpu.memref_squeeze %dma_start3A_20 : memref<1x98x128xi32, #tpu.memory_space<hbm>> -> memref<98x128xi32, #tpu.memory_space<hbm>>
      tpu.enqueue_dma source(%dma_start3A_21 : memref<98x128xi32, #tpu.memory_space<hbm>>) target(%arg8 : memref<98x128xi32, #tpu.memory_space<vmem>>) target_semaphore(%run_scoped3A : memref<!tpu.dma_semaphore, #tpu.memory_space<semaphore_mem>>)
      %dma_wait3A = arith.constant 0 : i32
      %dma_wait3A_22 = arith.constant 0 : i32
      %dma_wait3A_23 = tpu.memref_slice %arg5[%add3A, %dma_wait3A, %dma_wait3A_22] : memref<32x98x128xi32, #tpu.memory_space<hbm>> -> memref<1x98x128xi32, #tpu.memory_space<hbm>>
      %dma_wait3A_24 = tpu.memref_squeeze %dma_wait3A_23 : memref<1x98x128xi32, #tpu.memory_space<hbm>> -> memref<98x128xi32, #tpu.memory_space<hbm>>
      %dma_wait3A_25 = arith.constant 0 : i32
      %dma_wait3A_26 = arith.constant 0 : i32
      %dma_wait3A_27 = tpu.memref_slice %arg5[%add3A, %dma_wait3A_25, %dma_wait3A_26] : memref<32x98x128xi32, #tpu.memory_space<hbm>> -> memref<1x98x128xi32, #tpu.memory_space<hbm>>
      %dma_wait3A_28 = tpu.memref_squeeze %dma_wait3A_27 : memref<1x98x128xi32, #tpu.memory_space<hbm>> -> memref<98x128xi32, #tpu.memory_space<hbm>>
      tpu.wait_dma2 semaphore(%run_scoped3A : memref<!tpu.dma_semaphore, #tpu.memory_space<semaphore_mem>>) src(%dma_wait3A_28 : memref<98x128xi32, #tpu.memory_space<hbm>>) dst(%arg8 : memref<98x128xi32, #tpu.memory_space<vmem>>)
      tpu.yield
    }) : () -> ()
    %barrier3A = arith.constant 0 : index
    tpu.barrier barrier_id(%barrier3A)
    %eq3A = arith.constant 0 : i32
    %eq3A_3 = arith.cmpi eq, %arg0, %eq3A : i32
    %jit3A = arith.constant 98 : i32
    %jit3A_4 = arith.constant 59 : i32
    %select_n3A = arith.select %eq3A_3, %jit3A, %jit3A_4 : i32
    %while3A = arith.constant 0 : i32
    %while3A_5 = arith.constant 0 : i32
    %while3A_6 = arith.subi %select_n3A, %while3A_5 : i32
    %while3A_7 = arith.addi %while3A_5, %while3A_6 : i32
    %while3A_8 = arith.constant 1 : i32
    %while3A_9 = arith.divsi %while3A_6, %while3A_8 : i32
    %while3A_10 = arith.muli %while3A_9, %while3A_8 : i32
    %while3A_11 = arith.addi %while3A_5, %while3A_10 : i32
    %while3A_12 = arith.constant 1 : i32
    scf.for %while3A_15 = %while3A_5 to %while3A_11 step %while3A_12  : i32 {
      %dma_start3A = arith.constant 0 : i32
      %dma_start3A_16 = tpu.memref_slice %arg7[%while3A_15, %dma_start3A] : memref<98x128xi32, #tpu.memory_space<vmem>> -> memref<1x128xi32, #tpu.memory_space<vmem>>
      %dma_start3A_17 = tpu.memref_squeeze %dma_start3A_16 : memref<1x128xi32, #tpu.memory_space<vmem>> -> memref<128xi32, #tpu.memory_space<vmem>>
      %dma_start3A_18 = arith.constant 0 : i32
      %dma_start3A_19 = arith.constant 0 : i32
      %dma_start3A_20 = tpu.memref_slice %arg2[%dma_start3A_18, %dma_start3A_19] : memref<10000x128xf32, #tpu.memory_space<hbm>> -> memref<10000x128xf32, #tpu.memory_space<hbm>>
      tpu.enqueue_indirect_dma source(%dma_start3A_20 : memref<10000x128xf32, #tpu.memory_space<hbm>>) target(%arg9 : memref<128x128xf32, #tpu.memory_space<vmem>>) offsets(%dma_start3A_17 : memref<128xi32, #tpu.memory_space<vmem>>) semaphore(%arg11 : memref<!tpu.dma_semaphore, #tpu.memory_space<semaphore_mem>>)
      %dma_wait3A = arith.constant 0 : i32
      %dma_wait3A_21 = tpu.memref_slice %arg7[%while3A_15, %dma_wait3A] : memref<98x128xi32, #tpu.memory_space<vmem>> -> memref<1x128xi32, #tpu.memory_space<vmem>>
      %dma_wait3A_22 = tpu.memref_squeeze %dma_wait3A_21 : memref<1x128xi32, #tpu.memory_space<vmem>> -> memref<128xi32, #tpu.memory_space<vmem>>
      %dma_wait3A_23 = arith.constant 0 : i32
      %dma_wait3A_24 = arith.constant 0 : i32
      %dma_wait3A_25 = tpu.memref_slice %arg2[%dma_wait3A_23, %dma_wait3A_24] : memref<10000x128xf32, #tpu.memory_space<hbm>> -> memref<10000x128xf32, #tpu.memory_space<hbm>>
      tpu.wait_indirect_dma semaphore(%arg11 : memref<!tpu.dma_semaphore, #tpu.memory_space<semaphore_mem>>) src(%dma_wait3A_25 : memref<10000x128xf32, #tpu.memory_space<hbm>>) dst(%arg9 : memref<128x128xf32, #tpu.memory_space<vmem>>)
      "tpu.region"() ({
        %run_scoped3A = tpu.sem_alloc : memref<!tpu.dma_semaphore, #tpu.memory_space<semaphore_mem>>
        %dma_start3A_26 = arith.constant 0 : i32
        %dma_start3A_27 = tpu.memref_slice %arg8[%while3A_15, %dma_start3A_26] : memref<98x128xi32, #tpu.memory_space<vmem>> -> memref<1x128xi32, #tpu.memory_space<vmem>>
        %dma_start3A_28 = tpu.memref_squeeze %dma_start3A_27 : memref<1x128xi32, #tpu.memory_space<vmem>> -> memref<128xi32, #tpu.memory_space<vmem>>
        %dma_start3A_29 = arith.constant 0 : i32
        %dma_start3A_30 = arith.constant 0 : i32
        %dma_start3A_31 = tpu.memref_slice %arg10[%dma_start3A_29, %dma_start3A_30] : memref<10112x128xf32, #tpu.memory_space<vmem_shared>> -> memref<10112x128xf32, #tpu.memory_space<vmem_shared>>
        tpu.enqueue_indirect_dma source(%arg9 : memref<128x128xf32, #tpu.memory_space<vmem>>) target(%dma_start3A_31 : memref<10112x128xf32, #tpu.memory_space<vmem_shared>>) offsets(%dma_start3A_28 : memref<128xi32, #tpu.memory_space<vmem>>) semaphore(%run_scoped3A : memref<!tpu.dma_semaphore, #tpu.memory_space<semaphore_mem>>) {add = true}
        %dma_wait3A_32 = arith.constant 0 : i32
        %dma_wait3A_33 = tpu.memref_slice %arg8[%while3A_15, %dma_wait3A_32] : memref<98x128xi32, #tpu.memory_space<vmem>> -> memref<1x128xi32, #tpu.memory_space<vmem>>
        %dma_wait3A_34 = tpu.memref_squeeze %dma_wait3A_33 : memref<1x128xi32, #tpu.memory_space<vmem>> -> memref<128xi32, #tpu.memory_space<vmem>>
        %dma_wait3A_35 = arith.constant 0 : i32
        %dma_wait3A_36 = arith.constant 0 : i32
        %dma_wait3A_37 = tpu.memref_slice %arg10[%dma_wait3A_35, %dma_wait3A_36] : memref<10112x128xf32, #tpu.memory_space<vmem_shared>> -> memref<10112x128xf32, #tpu.memory_space<vmem_shared>>
        tpu.wait_indirect_dma semaphore(%run_scoped3A : memref<!tpu.dma_semaphore, #tpu.memory_space<semaphore_mem>>) src(%arg9 : memref<128x128xf32, #tpu.memory_space<vmem>>) dst(%dma_wait3A_37 : memref<10112x128xf32, #tpu.memory_space<vmem_shared>>)
        tpu.yield
      }) : () -> ()
    }
    %while3A_13 = arith.constant 1 : i32
    scf.for %while3A_15 = %while3A_11 to %while3A_7 step %while3A_13  : i32 {
      %dma_start3A = arith.constant 0 : i32
      %dma_start3A_16 = tpu.memref_slice %arg7[%while3A_15, %dma_start3A] : memref<98x128xi32, #tpu.memory_space<vmem>> -> memref<1x128xi32, #tpu.memory_space<vmem>>
      %dma_start3A_17 = tpu.memref_squeeze %dma_start3A_16 : memref<1x128xi32, #tpu.memory_space<vmem>> -> memref<128xi32, #tpu.memory_space<vmem>>
      %dma_start3A_18 = arith.constant 0 : i32
      %dma_start3A_19 = arith.constant 0 : i32
      %dma_start3A_20 = tpu.memref_slice %arg2[%dma_start3A_18, %dma_start3A_19] : memref<10000x128xf32, #tpu.memory_space<hbm>> -> memref<10000x128xf32, #tpu.memory_space<hbm>>
      tpu.enqueue_indirect_dma source(%dma_start3A_20 : memref<10000x128xf32, #tpu.memory_space<hbm>>) target(%arg9 : memref<128x128xf32, #tpu.memory_space<vmem>>) offsets(%dma_start3A_17 : memref<128xi32, #tpu.memory_space<vmem>>) semaphore(%arg11 : memref<!tpu.dma_semaphore, #tpu.memory_space<semaphore_mem>>)
      %dma_wait3A = arith.constant 0 : i32
      %dma_wait3A_21 = tpu.memref_slice %arg7[%while3A_15, %dma_wait3A] : memref<98x128xi32, #tpu.memory_space<vmem>> -> memref<1x128xi32, #tpu.memory_space<vmem>>
      %dma_wait3A_22 = tpu.memref_squeeze %dma_wait3A_21 : memref<1x128xi32, #tpu.memory_space<vmem>> -> memref<128xi32, #tpu.memory_space<vmem>>
      %dma_wait3A_23 = arith.constant 0 : i32
      %dma_wait3A_24 = arith.constant 0 : i32
      %dma_wait3A_25 = tpu.memref_slice %arg2[%dma_wait3A_23, %dma_wait3A_24] : memref<10000x128xf32, #tpu.memory_space<hbm>> -> memref<10000x128xf32, #tpu.memory_space<hbm>>
      tpu.wait_indirect_dma semaphore(%arg11 : memref<!tpu.dma_semaphore, #tpu.memory_space<semaphore_mem>>) src(%dma_wait3A_25 : memref<10000x128xf32, #tpu.memory_space<hbm>>) dst(%arg9 : memref<128x128xf32, #tpu.memory_space<vmem>>)
      "tpu.region"() ({
        %run_scoped3A = tpu.sem_alloc : memref<!tpu.dma_semaphore, #tpu.memory_space<semaphore_mem>>
        %dma_start3A_26 = arith.constant 0 : i32
        %dma_start3A_27 = tpu.memref_slice %arg8[%while3A_15, %dma_start3A_26] : memref<98x128xi32, #tpu.memory_space<vmem>> -> memref<1x128xi32, #tpu.memory_space<vmem>>
        %dma_start3A_28 = tpu.memref_squeeze %dma_start3A_27 : memref<1x128xi32, #tpu.memory_space<vmem>> -> memref<128xi32, #tpu.memory_space<vmem>>
        %dma_start3A_29 = arith.constant 0 : i32
        %dma_start3A_30 = arith.constant 0 : i32
        %dma_start3A_31 = tpu.memref_slice %arg10[%dma_start3A_29, %dma_start3A_30] : memref<10112x128xf32, #tpu.memory_space<vmem_shared>> -> memref<10112x128xf32, #tpu.memory_space<vmem_shared>>
        tpu.enqueue_indirect_dma source(%arg9 : memref<128x128xf32, #tpu.memory_space<vmem>>) target(%dma_start3A_31 : memref<10112x128xf32, #tpu.memory_space<vmem_shared>>) offsets(%dma_start3A_28 : memref<128xi32, #tpu.memory_space<vmem>>) semaphore(%run_scoped3A : memref<!tpu.dma_semaphore, #tpu.memory_space<semaphore_mem>>) {add = true}
        %dma_wait3A_32 = arith.constant 0 : i32
        %dma_wait3A_33 = tpu.memref_slice %arg8[%while3A_15, %dma_wait3A_32] : memref<98x128xi32, #tpu.memory_space<vmem>> -> memref<1x128xi32, #tpu.memory_space<vmem>>
        %dma_wait3A_34 = tpu.memref_squeeze %dma_wait3A_33 : memref<1x128xi32, #tpu.memory_space<vmem>> -> memref<128xi32, #tpu.memory_space<vmem>>
        %dma_wait3A_35 = arith.constant 0 : i32
        %dma_wait3A_36 = arith.constant 0 : i32
        %dma_wait3A_37 = tpu.memref_slice %arg10[%dma_wait3A_35, %dma_wait3A_36] : memref<10112x128xf32, #tpu.memory_space<vmem_shared>> -> memref<10112x128xf32, #tpu.memory_space<vmem_shared>>
        tpu.wait_indirect_dma semaphore(%run_scoped3A : memref<!tpu.dma_semaphore, #tpu.memory_space<semaphore_mem>>) src(%arg9 : memref<128x128xf32, #tpu.memory_space<vmem>>) dst(%dma_wait3A_37 : memref<10112x128xf32, #tpu.memory_space<vmem_shared>>)
        tpu.yield
      }) : () -> ()
    }
    %barrier3A_14 = arith.constant 0 : index
    tpu.barrier barrier_id(%barrier3A_14)
    "tpu.region"() ({
      %run_scoped3A = tpu.sem_alloc : memref<!tpu.dma_semaphore, #tpu.memory_space<semaphore_mem>>
      %dma_start3A = arith.constant 0 : i32
      %dma_start3A_15 = tpu.memref_slice %arg6[%arg0, %mul3A_2, %dma_start3A] : memref<2x10112x128xf32, #tpu.memory_space<hbm>> -> memref<1x632x128xf32, #tpu.memory_space<hbm>>
      %dma_start3A_16 = tpu.memref_squeeze %dma_start3A_15 : memref<1x632x128xf32, #tpu.memory_space<hbm>> -> memref<632x128xf32, #tpu.memory_space<hbm>>
      %dma_start3A_17 = arith.constant 0 : i32
      %dma_start3A_18 = tpu.memref_slice %arg10[%mul3A_2, %dma_start3A_17] : memref<10112x128xf32, #tpu.memory_space<vmem_shared>> -> memref<632x128xf32, #tpu.memory_space<vmem_shared>>
      tpu.enqueue_dma source(%dma_start3A_18 : memref<632x128xf32, #tpu.memory_space<vmem_shared>>) target(%dma_start3A_16 : memref<632x128xf32, #tpu.memory_space<hbm>>) target_semaphore(%run_scoped3A : memref<!tpu.dma_semaphore, #tpu.memory_space<semaphore_mem>>)
      %dma_wait3A = arith.constant 0 : i32
      %dma_wait3A_19 = tpu.memref_slice %arg6[%arg0, %mul3A_2, %dma_wait3A] : memref<2x10112x128xf32, #tpu.memory_space<hbm>> -> memref<1x632x128xf32, #tpu.memory_space<hbm>>
      %dma_wait3A_20 = tpu.memref_squeeze %dma_wait3A_19 : memref<1x632x128xf32, #tpu.memory_space<hbm>> -> memref<632x128xf32, #tpu.memory_space<hbm>>
      %dma_wait3A_21 = arith.constant 0 : i32
      %dma_wait3A_22 = tpu.memref_slice %arg10[%mul3A_2, %dma_wait3A_21] : memref<10112x128xf32, #tpu.memory_space<vmem_shared>> -> memref<632x128xf32, #tpu.memory_space<vmem_shared>>
      tpu.wait_dma2 semaphore(%run_scoped3A : memref<!tpu.dma_semaphore, #tpu.memory_space<semaphore_mem>>) src(%dma_wait3A_22 : memref<632x128xf32, #tpu.memory_space<vmem_shared>>) dst(%dma_wait3A_20 : memref<632x128xf32, #tpu.memory_space<hbm>>)
      tpu.yield
    }) : () -> ()
    return
  }
}

module attributes {stable_mosaic.version = 14 : i64} {
  func.func @body(%arg0: i32, %arg1: memref<2x1000x128xf32, #tpu.memory_space<vmem>>, %arg2: memref<1000x128xf32, #tpu.memory_space<vmem>>, %arg3: memref<128x128xf32, #tpu.memory_space<vmem>>, %arg4: memref<1x128xf32, #tpu.memory_space<vmem>>, %arg5: memref<128x128xf32, #tpu.memory_space<vmem>>, %arg6: memref<1x128xf32, #tpu.memory_space<vmem>>, %arg7: memref<1000x128xf32, #tpu.memory_space<vmem>>) attributes {dimension_semantics = [#tpu.dimension_semantics<arbitrary>], iteration_bounds = array<i64: 10>, scalar_prefetch = 0 : i64, scratch_operands = 0 : i64, tpu.core_type = #tpu.core_type<tc>, window_params = [{transform_indices = @transform_0, window_bounds = array<i64: 2, 1000, 128>}, {transform_indices = @transform_1, window_bounds = array<i64: 1000, 128>}, {pipeline_mode = #tpu.pipeline_mode<synchronous>, transform_indices = @transform_2, window_bounds = array<i64: 128, 128>}, {pipeline_mode = #tpu.pipeline_mode<synchronous>, transform_indices = @transform_3, window_bounds = array<i64: 1, 128>}, {pipeline_mode = #tpu.pipeline_mode<synchronous>, transform_indices = @transform_4, window_bounds = array<i64: 128, 128>}, {pipeline_mode = #tpu.pipeline_mode<synchronous>, transform_indices = @transform_5, window_bounds = array<i64: 1, 128>}, {transform_indices = @transform_6, window_bounds = array<i64: 1000, 128>}]} {
    %get3A = arith.constant 0 : index
    %get3A_0 = arith.constant 0 : index
    %get3A_1 = vector.load %arg2[%get3A, %get3A_0] : memref<1000x128xf32, #tpu.memory_space<vmem>>, vector<1000x128xf32>
    %get3A_2 = arith.constant 0 : index
    %get3A_3 = arith.constant 0 : index
    %get3A_4 = arith.constant 0 : index
    %get3A_5 = vector.load %arg1[%get3A_2, %get3A_3, %get3A_4] : memref<2x1000x128xf32, #tpu.memory_space<vmem>>, vector<1x1000x128xf32>
    %get3A_6 = vector.shape_cast %get3A_5 : vector<1x1000x128xf32> to vector<1000x128xf32>
    %add3A = arith.addf %get3A_1, %get3A_6 : vector<1000x128xf32>
    %get3A_7 = arith.constant 1 : index
    %get3A_8 = arith.constant 0 : index
    %get3A_9 = arith.constant 0 : index
    %get3A_10 = vector.load %arg1[%get3A_7, %get3A_8, %get3A_9] : memref<2x1000x128xf32, #tpu.memory_space<vmem>>, vector<1x1000x128xf32>
    %get3A_11 = vector.shape_cast %get3A_10 : vector<1x1000x128xf32> to vector<1000x128xf32>
    %add3A_12 = arith.addf %add3A, %get3A_11 : vector<1000x128xf32>
    %get3A_13 = arith.constant 0 : index
    %get3A_14 = arith.constant 0 : index
    %get3A_15 = vector.load %arg3[%get3A_13, %get3A_14] : memref<128x128xf32, #tpu.memory_space<vmem>>, vector<128x128xf32>
    %dot_general3A = arith.constant dense<0.000000e+00> : vector<1000x128xf32>
    %dot_general3A_16 = tpu.matmul %add3A_12, %get3A_15, %dot_general3A {dimension_numbers = #tpu.dot_dimension_numbers<[1], [0], [0], [1], [0, 0, 1, 1], [], []>, transpose_lhs_hint = false} : vector<1000x128xf32>, vector<128x128xf32>, vector<1000x128xf32> -> vector<1000x128xf32>
    %get3A_17 = arith.constant 0 : index
    %get3A_18 = arith.constant 0 : index
    %get3A_19 = vector.load %arg4[%get3A_17, %get3A_18] : memref<1x128xf32, #tpu.memory_space<vmem>>, vector<1x128xf32>
    %add3A_20 = vector.broadcast %get3A_19 : vector<1x128xf32> to vector<1000x128xf32>
    %add3A_21 = arith.addf %dot_general3A_16, %add3A_20 : vector<1000x128xf32>
    %max3A = arith.constant 0.000000e+00 : f32
    %max3A_22 = vector.broadcast %max3A : f32 to vector<1000x128xf32>
    %max3A_23 = arith.maximumf %add3A_21, %max3A_22 : vector<1000x128xf32>
    %get3A_24 = arith.constant 0 : index
    %get3A_25 = arith.constant 0 : index
    %get3A_26 = vector.load %arg5[%get3A_24, %get3A_25] : memref<128x128xf32, #tpu.memory_space<vmem>>, vector<128x128xf32>
    %dot_general3A_27 = arith.constant dense<0.000000e+00> : vector<1000x128xf32>
    %dot_general3A_28 = tpu.matmul %max3A_23, %get3A_26, %dot_general3A_27 {dimension_numbers = #tpu.dot_dimension_numbers<[1], [0], [0], [1], [0, 0, 1, 1], [], []>, transpose_lhs_hint = false} : vector<1000x128xf32>, vector<128x128xf32>, vector<1000x128xf32> -> vector<1000x128xf32>
    %get3A_29 = arith.constant 0 : index
    %get3A_30 = arith.constant 0 : index
    %get3A_31 = vector.load %arg6[%get3A_29, %get3A_30] : memref<1x128xf32, #tpu.memory_space<vmem>>, vector<1x128xf32>
    %add3A_32 = vector.broadcast %get3A_31 : vector<1x128xf32> to vector<1000x128xf32>
    %add3A_33 = arith.addf %dot_general3A_28, %add3A_32 : vector<1000x128xf32>
    %max3A_34 = arith.constant 0.000000e+00 : f32
    %max3A_35 = vector.broadcast %max3A_34 : f32 to vector<1000x128xf32>
    %max3A_36 = arith.maximumf %add3A_33, %max3A_35 : vector<1000x128xf32>
    %swap3A = arith.constant 0 : index
    %swap3A_37 = arith.constant 0 : index
    %swap3A_38 = vector.load %arg7[%swap3A, %swap3A_37] : memref<1000x128xf32, #tpu.memory_space<vmem>>, vector<1000x128xf32>
    tpu.vector_store %arg7[%swap3A, %swap3A_37], %max3A_36 {strides = array<i32>} : memref<1000x128xf32, #tpu.memory_space<vmem>>, vector<1000x128xf32>,
    return
  }
  func.func @transform_0(%arg0: i32) -> (i32, i32, i32) {
    %c0_i32 = arith.constant 0 : i32
    %c0_i32_0 = arith.constant 0 : i32
    %c0_i32_1 = arith.constant 0 : i32
    return %c0_i32, %arg0, %c0_i32_0 : i32, i32, i32
  }
  func.func @transform_1(%arg0: i32) -> (i32, i32) {
    %c0_i32 = arith.constant 0 : i32
    %c0_i32_0 = arith.constant 0 : i32
    return %arg0, %c0_i32 : i32, i32
  }
  func.func @transform_2(%arg0: i32) -> (i32, i32) {
    %c0_i32 = arith.constant 0 : i32
    %c0_i32_0 = arith.constant 0 : i32
    %c0_i32_1 = arith.constant 0 : i32
    return %c0_i32, %c0_i32_0 : i32, i32
  }
  func.func @transform_3(%arg0: i32) -> (i32, i32) {
    %c0_i32 = arith.constant 0 : i32
    %c0_i32_0 = arith.constant 0 : i32
    %c0_i32_1 = arith.constant 0 : i32
    return %c0_i32, %c0_i32_0 : i32, i32
  }
  func.func @transform_4(%arg0: i32) -> (i32, i32) {
    %c0_i32 = arith.constant 0 : i32
    %c0_i32_0 = arith.constant 0 : i32
    %c0_i32_1 = arith.constant 0 : i32
    return %c0_i32, %c0_i32_0 : i32, i32
  }
  func.func @transform_5(%arg0: i32) -> (i32, i32) {
    %c0_i32 = arith.constant 0 : i32
    %c0_i32_0 = arith.constant 0 : i32
    %c0_i32_1 = arith.constant 0 : i32
    return %c0_i32, %c0_i32_0 : i32, i32
  }
  func.func @transform_6(%arg0: i32) -> (i32, i32) {
    %c0_i32 = arith.constant 0 : i32
    %c0_i32_0 = arith.constant 0 : i32
    return %arg0, %c0_i32 : i32, i32
  }
}

module attributes {stable_mosaic.version = 14 : i64} {
  func.func @body(%arg0: i32, %arg1: memref<2x1000x128xf32, #tpu.memory_space<vmem>>, %arg2: memref<1000x128xf32, #tpu.memory_space<vmem>>, %arg3: memref<128x128xf32, #tpu.memory_space<vmem>>, %arg4: memref<1x128xf32, #tpu.memory_space<vmem>>, %arg5: memref<128x128xf32, #tpu.memory_space<vmem>>, %arg6: memref<1x128xf32, #tpu.memory_space<vmem>>, %arg7: memref<1000x128xf32, #tpu.memory_space<vmem>>) attributes {dimension_semantics = [#tpu.dimension_semantics<arbitrary>], iteration_bounds = array<i64: 10>, scalar_prefetch = 0 : i64, scratch_operands = 0 : i64, tpu.core_type = #tpu.core_type<tc>, window_params = [{transform_indices = @transform_0, window_bounds = array<i64: 2, 1000, 128>}, {transform_indices = @transform_1, window_bounds = array<i64: 1000, 128>}, {pipeline_mode = #tpu.pipeline_mode<synchronous>, transform_indices = @transform_2, window_bounds = array<i64: 128, 128>}, {pipeline_mode = #tpu.pipeline_mode<synchronous>, transform_indices = @transform_3, window_bounds = array<i64: 1, 128>}, {pipeline_mode = #tpu.pipeline_mode<synchronous>, transform_indices = @transform_4, window_bounds = array<i64: 128, 128>}, {pipeline_mode = #tpu.pipeline_mode<synchronous>, transform_indices = @transform_5, window_bounds = array<i64: 1, 128>}, {transform_indices = @transform_6, window_bounds = array<i64: 1000, 128>}]} {
    %get3A = arith.constant 0 : index
    %get3A_0 = arith.constant 0 : index
    %get3A_1 = vector.load %arg2[%get3A, %get3A_0] : memref<1000x128xf32, #tpu.memory_space<vmem>>, vector<1000x128xf32>
    %get3A_2 = arith.constant 0 : index
    %get3A_3 = arith.constant 0 : index
    %get3A_4 = arith.constant 0 : index
    %get3A_5 = vector.load %arg1[%get3A_2, %get3A_3, %get3A_4] : memref<2x1000x128xf32, #tpu.memory_space<vmem>>, vector<1x1000x128xf32>
    %get3A_6 = vector.shape_cast %get3A_5 : vector<1x1000x128xf32> to vector<1000x128xf32>
    %add3A = arith.addf %get3A_1, %get3A_6 : vector<1000x128xf32>
    %get3A_7 = arith.constant 1 : index
    %get3A_8 = arith.constant 0 : index
    %get3A_9 = arith.constant 0 : index
    %get3A_10 = vector.load %arg1[%get3A_7, %get3A_8, %get3A_9] : memref<2x1000x128xf32, #tpu.memory_space<vmem>>, vector<1x1000x128xf32>
    %get3A_11 = vector.shape_cast %get3A_10 : vector<1x1000x128xf32> to vector<1000x128xf32>
    %add3A_12 = arith.addf %add3A, %get3A_11 : vector<1000x128xf32>
    %get3A_13 = arith.constant 0 : index
    %get3A_14 = arith.constant 0 : index
    %get3A_15 = vector.load %arg3[%get3A_13, %get3A_14] : memref<128x128xf32, #tpu.memory_space<vmem>>, vector<128x128xf32>
    %dot_general3A = arith.constant dense<0.000000e+00> : vector<1000x128xf32>
    %dot_general3A_16 = tpu.matmul %add3A_12, %get3A_15, %dot_general3A {dimension_numbers = #tpu.dot_dimension_numbers<[1], [0], [0], [1], [0, 0, 1, 1], [], []>, transpose_lhs_hint = false} : vector<1000x128xf32>, vector<128x128xf32>, vector<1000x128xf32> -> vector<1000x128xf32>
    %get3A_17 = arith.constant 0 : index
    %get3A_18 = arith.constant 0 : index
    %get3A_19 = vector.load %arg4[%get3A_17, %get3A_18] : memref<1x128xf32, #tpu.memory_space<vmem>>, vector<1x128xf32>
    %add3A_20 = vector.broadcast %get3A_19 : vector<1x128xf32> to vector<1000x128xf32>
    %add3A_21 = arith.addf %dot_general3A_16, %add3A_20 : vector<1000x128xf32>
    %max3A = arith.constant 0.000000e+00 : f32
    %max3A_22 = vector.broadcast %max3A : f32 to vector<1000x128xf32>
    %max3A_23 = arith.maximumf %add3A_21, %max3A_22 : vector<1000x128xf32>
    %get3A_24 = arith.constant 0 : index
    %get3A_25 = arith.constant 0 : index
    %get3A_26 = vector.load %arg5[%get3A_24, %get3A_25] : memref<128x128xf32, #tpu.memory_space<vmem>>, vector<128x128xf32>
    %dot_general3A_27 = arith.constant dense<0.000000e+00> : vector<1000x128xf32>
    %dot_general3A_28 = tpu.matmul %max3A_23, %get3A_26, %dot_general3A_27 {dimension_numbers = #tpu.dot_dimension_numbers<[1], [0], [0], [1], [0, 0, 1, 1], [], []>, transpose_lhs_hint = false} : vector<1000x128xf32>, vector<128x128xf32>, vector<1000x128xf32> -> vector<1000x128xf32>
    %get3A_29 = arith.constant 0 : index
    %get3A_30 = arith.constant 0 : index
    %get3A_31 = vector.load %arg6[%get3A_29, %get3A_30] : memref<1x128xf32, #tpu.memory_space<vmem>>, vector<1x128xf32>
    %add3A_32 = vector.broadcast %get3A_31 : vector<1x128xf32> to vector<1000x128xf32>
    %add3A_33 = arith.addf %dot_general3A_28, %add3A_32 : vector<1000x128xf32>
    %swap3A = arith.constant 0 : index
    %swap3A_34 = arith.constant 0 : index
    %swap3A_35 = vector.load %arg7[%swap3A, %swap3A_34] : memref<1000x128xf32, #tpu.memory_space<vmem>>, vector<1000x128xf32>
    tpu.vector_store %arg7[%swap3A, %swap3A_34], %add3A_33 {strides = array<i32>} : memref<1000x128xf32, #tpu.memory_space<vmem>>, vector<1000x128xf32>,
    return
  }
  func.func @transform_0(%arg0: i32) -> (i32, i32, i32) {
    %c0_i32 = arith.constant 0 : i32
    %c0_i32_0 = arith.constant 0 : i32
    %c0_i32_1 = arith.constant 0 : i32
    return %c0_i32, %arg0, %c0_i32_0 : i32, i32, i32
  }
  func.func @transform_1(%arg0: i32) -> (i32, i32) {
    %c0_i32 = arith.constant 0 : i32
    %c0_i32_0 = arith.constant 0 : i32
    return %arg0, %c0_i32 : i32, i32
  }
  func.func @transform_2(%arg0: i32) -> (i32, i32) {
    %c0_i32 = arith.constant 0 : i32
    %c0_i32_0 = arith.constant 0 : i32
    %c0_i32_1 = arith.constant 0 : i32
    return %c0_i32, %c0_i32_0 : i32, i32
  }
  func.func @transform_3(%arg0: i32) -> (i32, i32) {
    %c0_i32 = arith.constant 0 : i32
    %c0_i32_0 = arith.constant 0 : i32
    %c0_i32_1 = arith.constant 0 : i32
    return %c0_i32, %c0_i32_0 : i32, i32
  }
  func.func @transform_4(%arg0: i32) -> (i32, i32) {
    %c0_i32 = arith.constant 0 : i32
    %c0_i32_0 = arith.constant 0 : i32
    %c0_i32_1 = arith.constant 0 : i32
    return %c0_i32, %c0_i32_0 : i32, i32
  }
  func.func @transform_5(%arg0: i32) -> (i32, i32) {
    %c0_i32 = arith.constant 0 : i32
    %c0_i32_0 = arith.constant 0 : i32
    %c0_i32_1 = arith.constant 0 : i32
    return %c0_i32, %c0_i32_0 : i32, i32
  }
  func.func @transform_6(%arg0: i32) -> (i32, i32) {
    %c0_i32 = arith.constant 0 : i32
    %c0_i32_0 = arith.constant 0 : i32
    return %arg0, %c0_i32 : i32, i32
  }
}

</mosaic_0001>

<sc_bundles>
// kernel: kernel.6.cloned.1.call-start
scs
__scs_entry_jumppad:
0x0: {  	(pc) =	sbr.rel $0x88, $3  }
0x1: {  	(tag) =	ssettag $0x0;
	lr =	simm.s32 $0x1  }
0x2: {  	[smem:$0x3F97] =	sst lr;
	_ =	strace $0xD0000000  }
0x3: {  	_ = 	snop  }
0x4: {  	_ = 	snop  }
0x5: {  	_ = 	snop  }
0x6: {  	_ = 	snop  }
0x7: {  	_ = 	snop  }
__scs_overlays_trampoline_lowered:
0x8: {  	[smem:$0x3FA6] =	sst s0  }
0x9: {  	[smem:$0x3FA7] =	sst s1  }
0xa: {  	[smem:$0x3FA8] =	sst s2  }
0xb: {  	[smem:$0x3FA9] =	sst s3  }
0xc: {  	[smem:$0x3FAA] =	sst s4  }
0xd: {  	[smem:$0x3FAB] =	sst s5  }
0xe: {  	[smem:$0x3FAC] =	sst s6  }
0xf: {  	[smem:$0x3FAD] =	sst s7  }
0x10: {  	[smem:$0x3FAE] =	sst s8  }
0x11: {  	[smem:$0x3FAF] =	sst s9;
	s0 =	simm.s32 @!p0 $0x0  }
0x12: {  	s1 =	sld [smem:$0x3F95];
	s0 =	simm.s32 @p0 $0x1  }
0x13: {  	[smem:$0x3FB0] =	sst s0;
	s0 =	simm.s32 @!p1 $0x0  }
0x14: {  	s2 =	sld [smem:$0x3F94];
	s0 =	simm.s32 @p1 $0x1  }
0x15: {  	[smem:$0x3FB1] =	sst s0;
	s0 =	simm.s32 @!p2 $0x0  }
0x16: {  	s3 =	sld [smem:$0x3FDB];
	s0 =	simm.s32 @p2 $0x1  }
0x17: {  	s4 =	simm.s32 $0x1BF5;
	[smem:$0x3FB3] =	sst s0  }
0x18: {  	s0 =	sld [smem:$0x3F96];
	_ =	swait.ge [sflag:s4], $0x0  }
0x19: {  	s7 =	sld [smem:$0x3F97]  }
0x1a: {  	s8 =	sadd.s32 $0xFFFFE003, lr  }
0x1b: {  	s9 =	sadd.s32 $0xFFFFFEF7, lr;
	s5 =	simm.s32 $0xFFFFFFFF;
	p2 =	slt.u32 s8, $0xFFFFF086  }
0x1c: {  	p1 =	slt.u32 s9, $0xF7A;
	s5 =	simm.s32 @!p2 $0x0  }
0x1d: {  	s5 =	simm.s32 @p1 $0x1;
	p0 =	seq.s32 s7, s2  }
0x1e: {  	s7 =	smul.u32 @!p0 $0xF7A, s2;
	p2 =	seq.s32 @!p0 s5, $0x0  }
0x1f: {  	s9 =	smul.u32 $0xF7A, s1;
	s8 =	simm.s32 @!p0 $0x1BF5;
	p2 =	por !p2, p0  }
0x20: {  	[sflag:s8] =	ssyncset.s32 @!p0 $0xFFFFF086;
	s6 =	sadd.s32 @!p0 s3, s7;
	s7 =	simm.s32 @!p0 $0x108  }
0x21: {  	s3 =	sadd.s32 s3, s9;
	s6 =	sadd.s32 @!p0 $0x88, s6;
	s7 =	simm.s32 @p2 $0x1082  }
0x22: {  	[simem:s7], [sflag:s8] =	dma.local @!p0 [hbm:s6], $0xF7A  }
0x23: {  	s9 =	sor.u32 $0xD0000000, s2;
	s6 =	simm.s32 $0x108;
	_ =	swait.ge @!p0 [sflag:s8], $0x0  }
0x24: {  	s3 =	sadd.s32 $0x88, s3;
	s6 =	simm.s32 @!p1 $0x1082;
	[sflag:s4] =	ssyncset.s32 $0xFFFFF086  }
0x25: {  	[simem:s6], [sflag:s4] =	dma.local [hbm:s3], $0xF7A  }
0x26: {  	[smem:$0x3F97] =	sst s1;
	(tag) =	ssettag s2;
	_ =	strace s9  }
0x27: {  	s1 =	sld [smem:$0x3FA7]  }
0x28: {  	s2 =	sld [smem:$0x3FA8]  }
0x29: {  	s4 =	sld [smem:$0x3FAA]  }
0x2a: {  	p0 =	seq.s32 s5, $0x0;
	s5 =	sld [smem:$0x3FAB]  }
0x2b: {  	s6 =	sld [smem:$0x3FAC]  }
0x2c: {  	s7 =	sld [smem:$0x3FAD]  }
0x2d: {  	s3 =	simm.s32 $0x108;
	s8 =	sld [smem:$0x3FAE]  }
0x2e: {  	s3 =	simm.s32 @!p0 $0x1082;
	s9 =	sld [smem:$0x3FAF]  }
0x2f: {  	lr =	sadd.s32 s0, s3;
	s0 =	sld [smem:$0x3FA6]  }
0x30: {  	s3 =	sld [smem:$0x3FA9]  }
0x31: {  	[smem:$0x3FB2] =	sst s10  }
0x32: {  	s10 =	sld [smem:$0x3FB0];
	_ =	sdelay $0x3  }
0x33: {  	p0 =	seq.s32 s10, $0x1;
	s10 =	sld [smem:$0x3FB2];
	_ =	sdelay $0x3  }
0x34: {  	[smem:$0x3FB2] =	sst s10  }
0x35: {  	s10 =	sld [smem:$0x3FB1];
	_ =	sdelay $0x3  }
0x36: {  	p1 =	seq.s32 s10, $0x1;
	s10 =	sld [smem:$0x3FB2];
	_ =	sdelay $0x3  }
0x37: {  	[smem:$0x3FB2] =	sst s10  }
0x38: {  	s10 =	sld [smem:$0x3FB3]  }
0x39: {  	_ = 	snop;
	(pc) =	sbr.ind lr, $3  }
0x3a: {  	_ = 	snop  }
0x3b: {  	_ = 	snop  }
0x3c: {  	p2 =	seq.s32 s10, $0x1;
	s10 =	sld [smem:$0x3FB2]  }
0x3d: {  	_ =	shalt  }
0x3e: {  	_ =	shalt  }
0x3f: {  	_ =	shalt  }
0x40: {  	_ =	shalt  }
0x41: {  	_ =	shalt  }
0x42: {  	_ =	shalt  }
0x43: {  	_ =	shalt  }
0x44: {  	_ =	shalt  }
0x45: {  	_ =	shalt  }
0x46: {  	_ =	shalt  }
0x47: {  	_ =	shalt  }
0x48: {  	_ =	shalt  }
0x49: {  	_ =	shalt  }
0x4a: {  	_ =	shalt  }
0x4b: {  	_ =	shalt  }
0x4c: {  	_ =	shalt  }
0x4d: {  	_ =	shalt  }
0x4e: {  	_ =	shalt  }
0x4f: {  	_ =	shalt  }
0x50: {  	_ =	shalt  }
0x51: {  	_ =	shalt  }
0x52: {  	_ =	shalt  }
0x53: {  	_ =	shalt  }
0x54: {  	_ =	shalt  }
0x55: {  	_ =	shalt  }
0x56: {  	_ =	shalt  }
0x57: {  	_ =	shalt  }
0x58: {  	_ =	shalt  }
0x59: {  	_ =	shalt  }
0x5a: {  	_ =	shalt  }
0x5b: {  	_ =	shalt  }
0x5c: {  	_ =	shalt  }
0x5d: {  	_ =	shalt  }
0x5e: {  	_ =	shalt  }
0x5f: {  	_ =	shalt  }
0x60: {  	_ =	shalt  }
0x61: {  	_ =	shalt  }
0x62: {  	_ =	shalt  }
0x63: {  	_ =	shalt  }
0x64: {  	_ =	shalt  }
0x65: {  	_ =	shalt  }
0x66: {  	_ =	shalt  }
0x67: {  	_ =	shalt  }
0x68: {  	_ =	shalt  }
0x69: {  	_ =	shalt  }
0x6a: {  	_ =	shalt  }
0x6b: {  	_ =	shalt  }
0x6c: {  	_ =	shalt  }
0x6d: {  	_ =	shalt  }
0x6e: {  	_ =	shalt  }
0x6f: {  	_ =	shalt  }
0x70: {  	_ =	shalt  }
0x71: {  	_ =	shalt  }
0x72: {  	_ =	shalt  }
0x73: {  	_ =	shalt  }
0x74: {  	_ =	shalt  }
0x75: {  	_ =	shalt  }
0x76: {  	_ =	shalt  }
0x77: {  	_ =	shalt  }
0x78: {  	_ =	shalt  }
0x79: {  	_ =	shalt  }
0x7a: {  	_ =	shalt  }
0x7b: {  	_ =	shalt  }
0x7c: {  	_ =	shalt  }
0x7d: {  	_ =	shalt  }
0x7e: {  	_ =	shalt  }
0x7f: {  	_ =	shalt  }
0x80: {  	_ =	shalt  }
0x81: {  	_ =	shalt  }
0x82: {  	_ =	shalt  }
0x83: {  	_ =	shalt  }
0x84: {  	_ =	shalt  }
0x85: {  	_ =	shalt  }
0x86: {  	_ =	shalt  }
0x87: {  	_ =	shalt  }
.Lfunc_end0:
.L_simem_size_0:
called_computation_lowered:
.L_overlay_start_0:
0x88: {  	s2 =	sld [smem:$0x3FD9]  }
0x89: {  	s3 =	sld [smem:$0x3FFE];
	_ =	sdelay $0x1  }
0x8a: {  	s1 =	srdreg.scid  }
0x8b: {  	s0 =	sand.u32 $0x1, s1  }
0x8c: {  	s17 =	sshll.u32 s0, $0xA;
	s2 =	sadd.s32 s3, s2  }
0x8d: {  	s2 =	sadd.s32 s2, s17  }
0x8e: {  	[smem:$0x3FBE] =	sst s2  }
0x8f: {  	_ = 	snop  }
0x90: {  	s2 =	sld [smem:$0x3FC9];
	(tm) =	ssettm $0x1  }
0x91: {  	s18 =	sld [smem:$0x3FFB];
	_ =	sdelay $0x3  }
0x92: {  	_ =	strace s18  }
0x93: {  	s3 =	sld [smem:$0x3FFC];
	_ =	sdelay $0x3  }
0x94: {  	_ =	strace s3  }
0x95: {  	s3 =	sld [smem:$0x3FFD];
	_ =	sdelay $0x3  }
0x96: {  	_ =	strace s3  }
0x97: {  	_ =	strace $0x8FFFFFFF  }
0x98: {  	s19 =	sld [smem:$0x3FDB];
	_ =	sdelay $0x1  }
0x99: {  	s4 =	simm.s32 $_scs_section_size  }
0x9a: {  	s5 =	simm.s32 $_size__tile_overlayer_lowered;
	s6 =	simm.s32 $_tile_overlayer_lowered  }
0x9b: {  	s22 =	simm.s32 $0x1BFF;
	s21 =	sshll.u32 s6, $0x1;
	s3 =	sadd.s32 s4, s19  }
0x9c: {  	s7 =	simm.s32 $0x0;
	s20 =	sshll.u32 s5, $0x1;
	s5 =	sadd.s32 s21, s3  }
0x9d: {  	[timem:s7], [sflag:s22] =	dma.local [hbm:s5], s20  }
0x9e: {  	_ =	swait.ge [sflag:s22], s20  }
0x9f: {  	s4 =	ssub.s32 $0x0, s20;
	[sflag:s22] =	ssyncset.done $0x0  }
0xa0: {  	[sflag:s22] =	ssyncadd.s32 s4;
	_ =	sdelay $0x1  }
0xa1: {  	s23 =	simm.s32 $0x1B8B  }
0xa2: {  	_ =	swait.ge [sflag:s23], $0x1  }
0xa3: {  	[sflag:s23] =	ssyncset.done $0x0  }
0xa4: {  	s25 =	simm.s32 $0x1B8E;
	s24 =	sld [smem:$0x3FFE];
	[sflag:s23] =	ssyncadd.s32 $0xFFFFFFFF  }
0xa5: {  	s26 =	simm.s32 $execute0_lowered;
	[smem:$0x3FD2] =	sst s25  }
0xa6: {  	s5 =	sshll.u32 s26, $0x1;
	_ =	strace $0x80000046;
	[dreg:$0x1] =	wrdreg $0xFFFFFFFF  }
0xa7: {  	s28 =	simm.s32 $_size_execute0_lowered;
	s3 =	sadd.s32 s3, s5;
	[dreg:$0x0] =	wrdreg $0x0  }
0xa8: {  	s5 =	sshll.u32 s28, $0x1;
	[dreg:$0x2] =	wrdreg s3  }
0xa9: {  	[dreg:$0x3] =	wrdreg s5  }
0xaa: {  	[dreg:$0x4] =	wrdreg $0xC0  }
0xab: {  	_ =	task [dreg:s7], $0x5FFFF  }
0xac: {  	[dreg:$0x1] =	wrdreg $0xFFFFFFFF  }
0xad: {  	[dreg:$0x0] =	wrdreg $0x60  }
0xae: {  	[dreg:$0x2] =	wrdreg s2  }
0xaf: {  	[dreg:$0x3] =	wrdreg s24  }
0xb0: {  	[dreg:$0x4] =	wrdreg $0xA8000  }
0xb1: {  	[dreg:$0x5] =	wrdreg $0x9  }
0xb2: {  	_ =	task.clear_ibuf [dreg:s7], $0x6FFFF;
	_ =	strace $0x90000046  }
0xb3: {  	s29 =	simm.s32 $0x9;
	_ =	strace $0x80000048  }
0xb4: {  	_ =	swait.ge [sflag:s29], $0x1  }
0xb5: {  	[sflag:s29] =	ssyncadd.s32 $0xFFFFFFFF  }
0xb6: {  	_ =	strace $0x90000048  }
0xb7: {  	_ =	sfence  }
0xb8: {  	s30 =	sld [smem:$0x0];
	_ =	sdelay $0x2  }
0xb9: {  	s31 =	sshll.u32 s1, $0xD;
	s1 =	sshrl.u32 s1, $0x2  }
0xba: {  	s3 =	sand.u32 $0x4000, s31;
	s1 =	sadd.s32 s1, s30  }
0xbb: {  	s0 =	sor.u32 s3, s0;
	s1 =	sshll.u32 s1, $0x11  }
0xbc: {  	s0 =	sor.u32 s1, s0  }
0xbd: {  	s0 =	sadd.s32 $0x8F2B, s0  }
0xbe: {  	[sflag:s0] =	ssyncadd.remote.s32 $0x1  }
0xbf: {  	_ =	sfence.sel $0xFFFF  }
0xc0: {  	[dreg:$0x0] =	wrdreg $0xFFFFFFFF;
	(pc) =	sbr.abs _section_cstart, $3  }
0xc1: {  	[dreg:$0x1] =	wrdreg $0xFFFFFFFF  }
0xc2: {  	_ =	task.clear_ibuf [dreg:s7], $0x2FFFF;
	_ =	strace $0x9FFFFFFF  }
0xc3: {  	(tm) =	ssettm $0x7FFFFFFF  }
tec
execute0_lowered:
.L_overlay_start_1:
0x0: {  	(tag) =	ssettag $0x1  }
0x1: {  	s1 =	rddreg [dreg:$0x0]  }
0x2: {  	s5 =	rddreg [dreg:$0x1]  }
0x3: {  	s3 =	rddreg [dreg:$0x2];
	s4 =	srdreg.scid  }
0x4: {  	s0 =	rddreg [dreg:$0x3];
	s2 =	stileid.u32;
	s15 =	simm.s32 $0x6800  }
0x5: {  	s16 =	simm.s32 $0x1;
	s17 =	simm.s32 $0x0;
	s6 =	smul.u32 $0x13C00, s2  }
0x6: {  	s9 =	sand.u32 $0x1, s4;
	s4 =	simm.s32 $0x0;
	s26 =	smul.u32 $0x4F000, s2  }
0x7: {  	s31 =	sshll.u32 s2, $0x6;
	s7 =	sshll.u32 s9, $0x4;
	[smem:$0x7FF] =	sst s4  }
0x8: {  	s8 =	smul.u32 $0x13C000, s9;
	s28 =	ssub.s32 $0x2, s9;
	p0 =	seq.s32 s9, $0x0  }
0x9: {  	s9 =	simm.s32 $0x62;
	s7 =	sor.u32 s2, s7;
	_ =	strace $0x80000047  }
0xa: {  	s10 =	sshrl.u32 s6, $0x3;
	s29 =	sshrl.u32 s28, $0x1;
	s30 =	sshrl.u32 s26, $0x2  }
0xb: {  	s9 =	simm.s32 @!p0 $0x3B;
	s7 =	smul.u32 $0x680, s7;
	s6 =	sadd.s32 s6, s8  }
0xc: {  	s10 =	sadd.s32 s10, s5;
	s13 =	ssub.s32 s28, s29;
	s6 =	sshrl.u32 s6, $0x3  }
0xd: {  	s14 =	sadd.s32 s30, s3;
	s11 =	sadd.s32 s7, s5;
	s12 =	sadd.s32 s6, s5  }
0xe: {  	s5 =	sadd.s32 $0x1BA00, s10;
	s6 =	sor.u32 $0x1C02, s31;
	s7 =	sadd.s32 $0xEA00, s11  }
0xf: {  	s8 =	sadd.s32 $0x1A00, s11;
	s10 =	sadd.s32 $0x43200, s12;
	s11 =	smax.u32 s13, $0x1  }
0x10: {  	s12 =	sshrl.u32 s14, $0x3;
	s13 =	simm.s32 $0x2;
	s14 =	simm.s32 $0x80  }
.LBB2_1:
0x11: {  	[spmem:s12], [sflag:s6] =	dma.local [hbm:s5], $0x2780  }
0x12: {  	_ =	swait.ge [sflag:s13], $0x2780  }
0x13: {  	[sflag:s13] =	ssyncset.done $0x0  }
0x14: {  	[sflag:s13] =	ssyncadd.s32 $0xFFFFD880  }
0x15: {  	[tilespmem:s4], [sflag:$0x2] =	stream.linear.gather [hbm4b:s7+s4], $0x3100, $0x38;
	[tilespmem:$0x1E400] =	vst v63  }
0x16: {  	_ =	swait.ge [sflag:s13], $0x3100  }
0x17: {  	[sflag:s13] =	ssyncset.done $0x0  }
0x18: {  	s18 =	simm.s32 $0x3400;
	[sflag:s13] =	ssyncadd.s32 $0xFFFFCF00  }
0x19: {  	[tilespmem:s18], [sflag:$0x2] =	stream.linear.gather [hbm4b:s8+s4], $0x3100, $0x38;
	[tilespmem:$0x1E400] =	vst v63  }
0x1a: {  	_ =	swait.ge [sflag:s13], $0x3100  }
0x1b: {  	[sflag:s13] =	ssyncset.done $0x0  }
0x1c: {  	[sflag:s13] =	ssyncadd.s32 $0xFFFFCF00  }
0x1d: {  	[bflag:$0x0] =	sbarrier.arrive $0xFFFF  }
0x1e: {  	[tilespmem:s15], [sflag:$0x1] =	stream.indirect.gather [hbm4b:s1+s14], $0x80, s4, s14, $0xb8;
	[tilespmem:$0x1E400] =	vst v63  }
0x1f: {  	p0 =	sne.s32 s9, $0x1;
	_ =	swait.ge [sflag:s16], $0x4000  }
.Ltmp0:
0x20: {  	[sflag:s16] =	ssyncset.done $0x0;
	(pc) =	sbr.rel @!p0 .LBB2_3-.Ltmp0, $4  }
0x21: {  	[sflag:s16] =	ssyncadd.s32 $0xFFFFC000  }
0x22: {  	[spmem:s3] =	stream.indirect.scatter.add.f32 [tilespmem:s15], [sflag:$0x2], $0x80, s18, s14, $0xb8;
	[tilespmem:$0x1E400] =	vst v63  }
0x23: {  	_ =	swait.ge [sflag:s13], $0x4000  }
0x24: {  	s19 =	sadd.s32 $0xFFFFFFFF, s9;
	s20 =	simm.s32 $0x0;
	[sflag:s13] =	ssyncset.done $0x0  }
.LBB2_2:
0x25: {  	[sflag:s13] =	ssyncadd.s32 $0xFFFFC000;
	s20 =	sadd.s32 $0x80, s20;
	s18 =	sadd.s32 $0x80, s18  }
0x26: {  	[tilespmem:s15], [sflag:$0x1] =	stream.indirect.gather [hbm4b:s1+s14], $0x80, s20, s14, $0xb8;
	[tilespmem:$0x1E400] =	vst v63  }
0x27: {  	p0 =	sne.s32 s19, $0x1;
	s19 =	sadd.s32 $0xFFFFFFFF, s19;
	_ =	swait.ge [sflag:s16], $0x4000  }
.Ltmp1:
0x28: {  	[sflag:s16] =	ssyncset.done $0x0;
	(pc) =	sbr.rel @p0 .LBB2_2-.Ltmp1, $4  }
0x29: {  	[sflag:s16] =	ssyncadd.s32 $0xFFFFC000  }
0x2a: {  	[spmem:s3] =	stream.indirect.scatter.add.f32 [tilespmem:s15], [sflag:$0x2], $0x80, s18, s14, $0xb8;
	[tilespmem:$0x1E400] =	vst v63  }
0x2b: {  	_ =	swait.ge [sflag:s13], $0x4000  }
0x2c: {  	[sflag:s13] =	ssyncset.done $0x0  }
.LBB2_3:
0x2d: {  	s17 =	sadd.s32 $0x1, s17  }
0x2e: {  	[sflag:s13] =	ssyncadd.s32 $0xFFFFC000;
	p0 =	sne.s32 s17, s11  }
.Ltmp2:
0x2f: {  	[bflag:$0x0] =	sbarrier.arrive $0xFFFF;
	(pc) =	sbr.rel @p0 .LBB2_1-.Ltmp2, $4  }
0x30: {  	[hbm:s10], [sflag:s6] =	dma.local [spmem:s12], $0x2780  }
0x31: {  	_ =	swait.ge [sflag:s13], $0x2780  }
0x32: {  	[sflag:s13] =	ssyncset.done $0x0  }
0x33: {  	[sflag:s13] =	ssyncadd.s32 $0xFFFFD880  }
0x34: {  	_ =	sfence.sel $0x180000  }
0x35: {  	[bflag:$0x0] =	sbarrier.arrive $0xFFFF  }
0x36: {  	p0 =	sne.s32 s2, $0x0;
	_ =	strace $0x90000047  }
0x37: {  	s0 =	sadd.s32 @!p0 $0x100000, s0;
	[bflag:$0x2] =	sbarrier.arrive $0xFFFF  }
0x38: {  	[sflag:s0] =	ssyncadd.tile.s32 @!p0 $0x1;
	_ =	shalt  }
.Lfunc_end2:
_tile_overlayer_lowered:
.L_overlay_start_2:
0x39: {  	(tag) =	ssettag $0x2  }
0x3a: {  	s0 =	rddreg [dreg:$0x0];
	s2 =	stileid.u32  }
0x3b: {  	s1 =	rddreg [dreg:$0x1];
	p0 =	sne.s32 s2, $0x0  }
0x3c: {  	s3 =	rddreg [dreg:$0x2];
	[bflag:$0x3] =	sbarrier.arrive $0xFFFF;
	s2 =	simm.s32 @!p0 $0x1C02  }
0x3d: {  	[timem:s3], [sflag:s2] =	dma.local @!p0 [hbm:s0], s1  }
0x3e: {  	s0 =	simm.s32 @!p0 $0x2  }
0x3f: {  	_ =	swait.ge @!p0 [sflag:s0], s1  }
0x40: {  	s1 =	ssub.s32 @!p0 $0x0, s1;
	[sflag:s0] =	ssyncset.done @!p0 $0x0  }
0x41: {  	[sflag:s0] =	ssyncadd.s32 @!p0 s1  }
0x42: {  	[bflag:$0x3] =	sbarrier.arrive $0xFFFF  }
0x43: {  	_ =	shalt  }

// kernel: kernel.9.cloned.1.call-start
scs
__scs_entry_jumppad:
0x0: {  	(pc) =	sbr.rel $0x88, $3  }
0x1: {  	(tag) =	ssettag $0x0;
	lr =	simm.s32 $0x1  }
0x2: {  	[smem:$0x3F97] =	sst lr;
	_ =	strace $0xD0000000  }
0x3: {  	_ = 	snop  }
0x4: {  	_ = 	snop  }
0x5: {  	_ = 	snop  }
0x6: {  	_ = 	snop  }
0x7: {  	_ = 	snop  }
__scs_overlays_trampoline_lowered:
0x8: {  	[smem:$0x3FA6] =	sst s0  }
0x9: {  	[smem:$0x3FA7] =	sst s1  }
0xa: {  	[smem:$0x3FA8] =	sst s2  }
0xb: {  	[smem:$0x3FA9] =	sst s3  }
0xc: {  	[smem:$0x3FAA] =	sst s4  }
0xd: {  	[smem:$0x3FAB] =	sst s5  }
0xe: {  	[smem:$0x3FAC] =	sst s6  }
0xf: {  	[smem:$0x3FAD] =	sst s7  }
0x10: {  	[smem:$0x3FAE] =	sst s8  }
0x11: {  	[smem:$0x3FAF] =	sst s9;
	s0 =	simm.s32 @!p0 $0x0  }
0x12: {  	s1 =	sld [smem:$0x3F95];
	s0 =	simm.s32 @p0 $0x1  }
0x13: {  	[smem:$0x3FB0] =	sst s0;
	s0 =	simm.s32 @!p1 $0x0  }
0x14: {  	s2 =	sld [smem:$0x3F94];
	s0 =	simm.s32 @p1 $0x1  }
0x15: {  	[smem:$0x3FB1] =	sst s0;
	s0 =	simm.s32 @!p2 $0x0  }
0x16: {  	s3 =	sld [smem:$0x3FDB];
	s0 =	simm.s32 @p2 $0x1  }
0x17: {  	s4 =	simm.s32 $0x1BF5;
	[smem:$0x3FB3] =	sst s0  }
0x18: {  	s0 =	sld [smem:$0x3F96];
	_ =	swait.ge [sflag:s4], $0x0  }
0x19: {  	s7 =	sld [smem:$0x3F97]  }
0x1a: {  	s8 =	sadd.s32 $0xFFFFE003, lr  }
0x1b: {  	s9 =	sadd.s32 $0xFFFFFEF7, lr;
	s5 =	simm.s32 $0xFFFFFFFF;
	p2 =	slt.u32 s8, $0xFFFFF086  }
0x1c: {  	p1 =	slt.u32 s9, $0xF7A;
	s5 =	simm.s32 @!p2 $0x0  }
0x1d: {  	s5 =	simm.s32 @p1 $0x1;
	p0 =	seq.s32 s7, s2  }
0x1e: {  	s7 =	smul.u32 @!p0 $0xF7A, s2;
	p2 =	seq.s32 @!p0 s5, $0x0  }
0x1f: {  	s9 =	smul.u32 $0xF7A, s1;
	s8 =	simm.s32 @!p0 $0x1BF5;
	p2 =	por !p2, p0  }
0x20: {  	[sflag:s8] =	ssyncset.s32 @!p0 $0xFFFFF086;
	s6 =	sadd.s32 @!p0 s3, s7;
	s7 =	simm.s32 @!p0 $0x108  }
0x21: {  	s3 =	sadd.s32 s3, s9;
	s6 =	sadd.s32 @!p0 $0x88, s6;
	s7 =	simm.s32 @p2 $0x1082  }
0x22: {  	[simem:s7], [sflag:s8] =	dma.local @!p0 [hbm:s6], $0xF7A  }
0x23: {  	s9 =	sor.u32 $0xD0000000, s2;
	s6 =	simm.s32 $0x108;
	_ =	swait.ge @!p0 [sflag:s8], $0x0  }
0x24: {  	s3 =	sadd.s32 $0x88, s3;
	s6 =	simm.s32 @!p1 $0x1082;
	[sflag:s4] =	ssyncset.s32 $0xFFFFF086  }
0x25: {  	[simem:s6], [sflag:s4] =	dma.local [hbm:s3], $0xF7A  }
0x26: {  	[smem:$0x3F97] =	sst s1;
	(tag) =	ssettag s2;
	_ =	strace s9  }
0x27: {  	s1 =	sld [smem:$0x3FA7]  }
0x28: {  	s2 =	sld [smem:$0x3FA8]  }
0x29: {  	s4 =	sld [smem:$0x3FAA]  }
0x2a: {  	p0 =	seq.s32 s5, $0x0;
	s5 =	sld [smem:$0x3FAB]  }
0x2b: {  	s6 =	sld [smem:$0x3FAC]  }
0x2c: {  	s7 =	sld [smem:$0x3FAD]  }
0x2d: {  	s3 =	simm.s32 $0x108;
	s8 =	sld [smem:$0x3FAE]  }
0x2e: {  	s3 =	simm.s32 @!p0 $0x1082;
	s9 =	sld [smem:$0x3FAF]  }
0x2f: {  	lr =	sadd.s32 s0, s3;
	s0 =	sld [smem:$0x3FA6]  }
0x30: {  	s3 =	sld [smem:$0x3FA9]  }
0x31: {  	[smem:$0x3FB2] =	sst s10  }
0x32: {  	s10 =	sld [smem:$0x3FB0];
	_ =	sdelay $0x3  }
0x33: {  	p0 =	seq.s32 s10, $0x1;
	s10 =	sld [smem:$0x3FB2];
	_ =	sdelay $0x3  }
0x34: {  	[smem:$0x3FB2] =	sst s10  }
0x35: {  	s10 =	sld [smem:$0x3FB1];
	_ =	sdelay $0x3  }
0x36: {  	p1 =	seq.s32 s10, $0x1;
	s10 =	sld [smem:$0x3FB2];
	_ =	sdelay $0x3  }
0x37: {  	[smem:$0x3FB2] =	sst s10  }
0x38: {  	s10 =	sld [smem:$0x3FB3]  }
0x39: {  	_ = 	snop;
	(pc) =	sbr.ind lr, $3  }
0x3a: {  	_ = 	snop  }
0x3b: {  	_ = 	snop  }
0x3c: {  	p2 =	seq.s32 s10, $0x1;
	s10 =	sld [smem:$0x3FB2]  }
0x3d: {  	_ =	shalt  }
0x3e: {  	_ =	shalt  }
0x3f: {  	_ =	shalt  }
0x40: {  	_ =	shalt  }
0x41: {  	_ =	shalt  }
0x42: {  	_ =	shalt  }
0x43: {  	_ =	shalt  }
0x44: {  	_ =	shalt  }
0x45: {  	_ =	shalt  }
0x46: {  	_ =	shalt  }
0x47: {  	_ =	shalt  }
0x48: {  	_ =	shalt  }
0x49: {  	_ =	shalt  }
0x4a: {  	_ =	shalt  }
0x4b: {  	_ =	shalt  }
0x4c: {  	_ =	shalt  }
0x4d: {  	_ =	shalt  }
0x4e: {  	_ =	shalt  }
0x4f: {  	_ =	shalt  }
0x50: {  	_ =	shalt  }
0x51: {  	_ =	shalt  }
0x52: {  	_ =	shalt  }
0x53: {  	_ =	shalt  }
0x54: {  	_ =	shalt  }
0x55: {  	_ =	shalt  }
0x56: {  	_ =	shalt  }
0x57: {  	_ =	shalt  }
0x58: {  	_ =	shalt  }
0x59: {  	_ =	shalt  }
0x5a: {  	_ =	shalt  }
0x5b: {  	_ =	shalt  }
0x5c: {  	_ =	shalt  }
0x5d: {  	_ =	shalt  }
0x5e: {  	_ =	shalt  }
0x5f: {  	_ =	shalt  }
0x60: {  	_ =	shalt  }
0x61: {  	_ =	shalt  }
0x62: {  	_ =	shalt  }
0x63: {  	_ =	shalt  }
0x64: {  	_ =	shalt  }
0x65: {  	_ =	shalt  }
0x66: {  	_ =	shalt  }
0x67: {  	_ =	shalt  }
0x68: {  	_ =	shalt  }
0x69: {  	_ =	shalt  }
0x6a: {  	_ =	shalt  }
0x6b: {  	_ =	shalt  }
0x6c: {  	_ =	shalt  }
0x6d: {  	_ =	shalt  }
0x6e: {  	_ =	shalt  }
0x6f: {  	_ =	shalt  }
0x70: {  	_ =	shalt  }
0x71: {  	_ =	shalt  }
0x72: {  	_ =	shalt  }
0x73: {  	_ =	shalt  }
0x74: {  	_ =	shalt  }
0x75: {  	_ =	shalt  }
0x76: {  	_ =	shalt  }
0x77: {  	_ =	shalt  }
0x78: {  	_ =	shalt  }
0x79: {  	_ =	shalt  }
0x7a: {  	_ =	shalt  }
0x7b: {  	_ =	shalt  }
0x7c: {  	_ =	shalt  }
0x7d: {  	_ =	shalt  }
0x7e: {  	_ =	shalt  }
0x7f: {  	_ =	shalt  }
0x80: {  	_ =	shalt  }
0x81: {  	_ =	shalt  }
0x82: {  	_ =	shalt  }
0x83: {  	_ =	shalt  }
0x84: {  	_ =	shalt  }
0x85: {  	_ =	shalt  }
0x86: {  	_ =	shalt  }
0x87: {  	_ =	shalt  }
.Lfunc_end0:
.L_simem_size_0:
called_computation.1_lowered:
.L_overlay_start_0:
0x88: {  	s2 =	sld [smem:$0x3FD9]  }
0x89: {  	s3 =	sld [smem:$0x3FFE];
	_ =	sdelay $0x1  }
0x8a: {  	s1 =	srdreg.scid  }
0x8b: {  	s0 =	sand.u32 $0x1, s1  }
0x8c: {  	s17 =	sshll.u32 s0, $0xA;
	s2 =	sadd.s32 s3, s2  }
0x8d: {  	s2 =	sadd.s32 s2, s17  }
0x8e: {  	[smem:$0x3FBE] =	sst s2  }
0x8f: {  	_ = 	snop  }
0x90: {  	s2 =	sld [smem:$0x3FD0];
	(tm) =	ssettm $0x1  }
0x91: {  	s18 =	sld [smem:$0x3FFB];
	_ =	sdelay $0x3  }
0x92: {  	_ =	strace s18  }
0x93: {  	s3 =	sld [smem:$0x3FFC];
	_ =	sdelay $0x3  }
0x94: {  	_ =	strace s3  }
0x95: {  	s3 =	sld [smem:$0x3FFD];
	_ =	sdelay $0x3  }
0x96: {  	_ =	strace s3  }
0x97: {  	_ =	strace $0x8FFFFFFF  }
0x98: {  	s19 =	sld [smem:$0x3FDB];
	_ =	sdelay $0x1  }
0x99: {  	s4 =	simm.s32 $_scs_section_size  }
0x9a: {  	s5 =	simm.s32 $_size__tile_overlayer_lowered;
	s6 =	simm.s32 $_tile_overlayer_lowered  }
0x9b: {  	s22 =	simm.s32 $0x1BFF;
	s21 =	sshll.u32 s6, $0x1;
	s3 =	sadd.s32 s4, s19  }
0x9c: {  	s7 =	simm.s32 $0x0;
	s20 =	sshll.u32 s5, $0x1;
	s5 =	sadd.s32 s21, s3  }
0x9d: {  	[timem:s7], [sflag:s22] =	dma.local [hbm:s5], s20  }
0x9e: {  	_ =	swait.ge [sflag:s22], s20  }
0x9f: {  	s4 =	ssub.s32 $0x0, s20;
	[sflag:s22] =	ssyncset.done $0x0  }
0xa0: {  	[sflag:s22] =	ssyncadd.s32 s4;
	_ =	sdelay $0x1  }
0xa1: {  	s23 =	simm.s32 $0x1B8B  }
0xa2: {  	_ =	swait.ge [sflag:s23], $0x1  }
0xa3: {  	[sflag:s23] =	ssyncset.done $0x0  }
0xa4: {  	s25 =	simm.s32 $0x1B8E;
	s24 =	sld [smem:$0x3FFE];
	[sflag:s23] =	ssyncadd.s32 $0xFFFFFFFF  }
0xa5: {  	s26 =	simm.s32 $execute0_lowered;
	[smem:$0x3FD2] =	sst s25  }
0xa6: {  	s5 =	sshll.u32 s26, $0x1;
	_ =	strace $0x80000049;
	[dreg:$0x1] =	wrdreg $0xFFFFFFFF  }
0xa7: {  	s28 =	simm.s32 $_size_execute0_lowered;
	s3 =	sadd.s32 s3, s5;
	[dreg:$0x0] =	wrdreg $0x0  }
0xa8: {  	s5 =	sshll.u32 s28, $0x1;
	[dreg:$0x2] =	wrdreg s3  }
0xa9: {  	[dreg:$0x3] =	wrdreg s5  }
0xaa: {  	[dreg:$0x4] =	wrdreg $0xC0  }
0xab: {  	_ =	task [dreg:s7], $0x5FFFF  }
0xac: {  	[dreg:$0x1] =	wrdreg $0xFFFFFFFF  }
0xad: {  	[dreg:$0x0] =	wrdreg $0x60  }
0xae: {  	[dreg:$0x2] =	wrdreg s2  }
0xaf: {  	[dreg:$0x3] =	wrdreg s24  }
0xb0: {  	[dreg:$0x4] =	wrdreg $0xA8000  }
0xb1: {  	[dreg:$0x5] =	wrdreg $0x9  }
0xb2: {  	_ =	task.clear_ibuf [dreg:s7], $0x6FFFF;
	_ =	strace $0x90000049  }
0xb3: {  	s29 =	simm.s32 $0x9;
	_ =	strace $0x8000004B  }
0xb4: {  	_ =	swait.ge [sflag:s29], $0x1  }
0xb5: {  	[sflag:s29] =	ssyncadd.s32 $0xFFFFFFFF  }
0xb6: {  	_ =	strace $0x9000004B  }
0xb7: {  	_ =	sfence  }
0xb8: {  	s30 =	sld [smem:$0x0];
	_ =	sdelay $0x2  }
0xb9: {  	s31 =	sshll.u32 s1, $0xD;
	s1 =	sshrl.u32 s1, $0x2  }
0xba: {  	s3 =	sand.u32 $0x4000, s31;
	s1 =	sadd.s32 s1, s30  }
0xbb: {  	s0 =	sor.u32 s3, s0;
	s1 =	sshll.u32 s1, $0x11  }
0xbc: {  	s0 =	sor.u32 s1, s0  }
0xbd: {  	s0 =	sadd.s32 $0x8F2B, s0  }
0xbe: {  	[sflag:s0] =	ssyncadd.remote.s32 $0x1  }
0xbf: {  	_ =	sfence.sel $0xFFFF  }
0xc0: {  	[dreg:$0x0] =	wrdreg $0xFFFFFFFF;
	(pc) =	sbr.abs _section_cstart, $3  }
0xc1: {  	[dreg:$0x1] =	wrdreg $0xFFFFFFFF  }
0xc2: {  	_ =	task.clear_ibuf [dreg:s7], $0x2FFFF;
	_ =	strace $0x9FFFFFFF  }
0xc3: {  	(tm) =	ssettm $0x7FFFFFFF  }
tec
execute0_lowered:
.L_overlay_start_1:
0x0: {  	(tag) =	ssettag $0x1  }
0x1: {  	s1 =	rddreg [dreg:$0x0]  }
0x2: {  	s5 =	rddreg [dreg:$0x1]  }
0x3: {  	s3 =	rddreg [dreg:$0x2];
	s4 =	srdreg.scid  }
0x4: {  	s0 =	rddreg [dreg:$0x3];
	s2 =	stileid.u32;
	s15 =	simm.s32 $0x6800  }
0x5: {  	s16 =	simm.s32 $0x1;
	s17 =	simm.s32 $0x0;
	s6 =	smul.u32 $0x13C00, s2  }
0x6: {  	s9 =	sand.u32 $0x1, s4;
	s4 =	simm.s32 $0x0;
	s26 =	smul.u32 $0x4F000, s2  }
0x7: {  	s31 =	sshll.u32 s2, $0x6;
	s7 =	sshll.u32 s9, $0x4;
	[smem:$0x7FF] =	sst s4  }
0x8: {  	s8 =	smul.u32 $0x13C000, s9;
	s28 =	ssub.s32 $0x2, s9;
	p0 =	seq.s32 s9, $0x0  }
0x9: {  	s9 =	simm.s32 $0x62;
	s7 =	sor.u32 s2, s7;
	_ =	strace $0x8000004A  }
0xa: {  	s10 =	sshrl.u32 s6, $0x3;
	s29 =	sshrl.u32 s28, $0x1;
	s30 =	sshrl.u32 s26, $0x2  }
0xb: {  	s9 =	simm.s32 @!p0 $0x3B;
	s7 =	smul.u32 $0x680, s7;
	s6 =	sadd.s32 s6, s8  }
0xc: {  	s10 =	sadd.s32 s10, s5;
	s13 =	ssub.s32 s28, s29;
	s6 =	sshrl.u32 s6, $0x3  }
0xd: {  	s14 =	sadd.s32 s30, s3;
	s11 =	sadd.s32 s7, s5;
	s12 =	sadd.s32 s6, s5  }
0xe: {  	s5 =	sadd.s32 $0x1BA00, s10;
	s6 =	sor.u32 $0x1C02, s31;
	s7 =	sadd.s32 $0xEA00, s11  }
0xf: {  	s8 =	sadd.s32 $0x1A00, s11;
	s10 =	sadd.s32 $0x43200, s12;
	s11 =	smax.u32 s13, $0x1  }
0x10: {  	s12 =	sshrl.u32 s14, $0x3;
	s13 =	simm.s32 $0x2;
	s14 =	simm.s32 $0x80  }
.LBB2_1:
0x11: {  	[spmem:s12], [sflag:s6] =	dma.local [hbm:s5], $0x2780  }
0x12: {  	_ =	swait.ge [sflag:s13], $0x2780  }
0x13: {  	[sflag:s13] =	ssyncset.done $0x0  }
0x14: {  	[sflag:s13] =	ssyncadd.s32 $0xFFFFD880  }
0x15: {  	[tilespmem:s4], [sflag:$0x2] =	stream.linear.gather [hbm4b:s7+s4], $0x3100, $0x38;
	[tilespmem:$0x1E400] =	vst v63  }
0x16: {  	_ =	swait.ge [sflag:s13], $0x3100  }
0x17: {  	[sflag:s13] =	ssyncset.done $0x0  }
0x18: {  	s18 =	simm.s32 $0x3400;
	[sflag:s13] =	ssyncadd.s32 $0xFFFFCF00  }
0x19: {  	[tilespmem:s18], [sflag:$0x2] =	stream.linear.gather [hbm4b:s8+s4], $0x3100, $0x38;
	[tilespmem:$0x1E400] =	vst v63  }
0x1a: {  	_ =	swait.ge [sflag:s13], $0x3100  }
0x1b: {  	[sflag:s13] =	ssyncset.done $0x0  }
0x1c: {  	[sflag:s13] =	ssyncadd.s32 $0xFFFFCF00  }
0x1d: {  	[bflag:$0x0] =	sbarrier.arrive $0xFFFF  }
0x1e: {  	[tilespmem:s15], [sflag:$0x1] =	stream.indirect.gather [hbm4b:s1+s14], $0x80, s4, s14, $0xb8;
	[tilespmem:$0x1E400] =	vst v63  }
0x1f: {  	p0 =	sne.s32 s9, $0x1;
	_ =	swait.ge [sflag:s16], $0x4000  }
.Ltmp0:
0x20: {  	[sflag:s16] =	ssyncset.done $0x0;
	(pc) =	sbr.rel @!p0 .LBB2_3-.Ltmp0, $4  }
0x21: {  	[sflag:s16] =	ssyncadd.s32 $0xFFFFC000  }
0x22: {  	[spmem:s3] =	stream.indirect.scatter.add.f32 [tilespmem:s15], [sflag:$0x2], $0x80, s18, s14, $0xb8;
	[tilespmem:$0x1E400] =	vst v63  }
0x23: {  	_ =	swait.ge [sflag:s13], $0x4000  }
0x24: {  	s19 =	sadd.s32 $0xFFFFFFFF, s9;
	s20 =	simm.s32 $0x0;
	[sflag:s13] =	ssyncset.done $0x0  }
.LBB2_2:
0x25: {  	[sflag:s13] =	ssyncadd.s32 $0xFFFFC000;
	s20 =	sadd.s32 $0x80, s20;
	s18 =	sadd.s32 $0x80, s18  }
0x26: {  	[tilespmem:s15], [sflag:$0x1] =	stream.indirect.gather [hbm4b:s1+s14], $0x80, s20, s14, $0xb8;
	[tilespmem:$0x1E400] =	vst v63  }
0x27: {  	p0 =	sne.s32 s19, $0x1;
	s19 =	sadd.s32 $0xFFFFFFFF, s19;
	_ =	swait.ge [sflag:s16], $0x4000  }
.Ltmp1:
0x28: {  	[sflag:s16] =	ssyncset.done $0x0;
	(pc) =	sbr.rel @p0 .LBB2_2-.Ltmp1, $4  }
0x29: {  	[sflag:s16] =	ssyncadd.s32 $0xFFFFC000  }
0x2a: {  	[spmem:s3] =	stream.indirect.scatter.add.f32 [tilespmem:s15], [sflag:$0x2], $0x80, s18, s14, $0xb8;
	[tilespmem:$0x1E400] =	vst v63  }
0x2b: {  	_ =	swait.ge [sflag:s13], $0x4000  }
0x2c: {  	[sflag:s13] =	ssyncset.done $0x0  }
.LBB2_3:
0x2d: {  	s17 =	sadd.s32 $0x1, s17  }
0x2e: {  	[sflag:s13] =	ssyncadd.s32 $0xFFFFC000;
	p0 =	sne.s32 s17, s11  }
.Ltmp2:
0x2f: {  	[bflag:$0x0] =	sbarrier.arrive $0xFFFF;
	(pc) =	sbr.rel @p0 .LBB2_1-.Ltmp2, $4  }
0x30: {  	[hbm:s10], [sflag:s6] =	dma.local [spmem:s12], $0x2780  }
0x31: {  	_ =	swait.ge [sflag:s13], $0x2780  }
0x32: {  	[sflag:s13] =	ssyncset.done $0x0  }
0x33: {  	[sflag:s13] =	ssyncadd.s32 $0xFFFFD880  }
0x34: {  	_ =	sfence.sel $0x180000  }
0x35: {  	[bflag:$0x0] =	sbarrier.arrive $0xFFFF  }
0x36: {  	p0 =	sne.s32 s2, $0x0;
	_ =	strace $0x9000004A  }
0x37: {  	s0 =	sadd.s32 @!p0 $0x100000, s0;
	[bflag:$0x2] =	sbarrier.arrive $0xFFFF  }
0x38: {  	[sflag:s0] =	ssyncadd.tile.s32 @!p0 $0x1;
	_ =	shalt  }
.Lfunc_end2:
_tile_overlayer_lowered:
.L_overlay_start_2:
0x39: {  	(tag) =	ssettag $0x2  }
0x3a: {  	s0 =	rddreg [dreg:$0x0];
	s2 =	stileid.u32  }
0x3b: {  	s1 =	rddreg [dreg:$0x1];
	p0 =	sne.s32 s2, $0x0  }
0x3c: {  	s3 =	rddreg [dreg:$0x2];
	[bflag:$0x3] =	sbarrier.arrive $0xFFFF;
	s2 =	simm.s32 @!p0 $0x1C02  }
0x3d: {  	[timem:s3], [sflag:s2] =	dma.local @!p0 [hbm:s0], s1  }
0x3e: {  	s0 =	simm.s32 @!p0 $0x2  }
0x3f: {  	_ =	swait.ge @!p0 [sflag:s0], s1  }
0x40: {  	s1 =	ssub.s32 @!p0 $0x0, s1;
	[sflag:s0] =	ssyncset.done @!p0 $0x0  }
0x41: {  	[sflag:s0] =	ssyncadd.s32 @!p0 s1  }
0x42: {  	[bflag:$0x3] =	sbarrier.arrive $0xFFFF  }
0x43: {  	_ =	shalt  }

</sc_bundles>
